<compile_context>
chip_gen: v7x
topology: tpu7x:2x2x1
jax: 0.10.2.dev20260603
libtpu: 0.0.44.dev20260713+nightly
codegen_flags: <defaults>
</compile_context>

<pallas_src>
import functools

import jax
import jax.numpy as jnp
from jax import lax
from jax.experimental import pallas as pl
from jax.experimental.pallas import tpu as pltpu
from jax.experimental.pallas import tpu_sc as plsc

VOCAB = 100000
D = 64
B = 4096
S = 200

NC = 2
NS = 16
NW = NC * NS
B_PER_W = B // NW
HALF = S // 2
NREG = D // 16


NBUF = 4


def _bow_body(inputs_hbm, table_hbm, bias_hbm, out_hbm,
              idx_v, rows_v, out_v, bias_v, *sems):
    wid = lax.axis_index("s") * NC + lax.axis_index("c")
    base = wid * B_PER_W

    pltpu.sync_copy(inputs_hbm.at[pl.ds(base, B_PER_W)], idx_v)
    pltpu.sync_copy(bias_hbm, bias_v)
    bias_regs = [bias_v[pl.ds(16 * d, 16)] for d in range(NREG)]

    def issue(r, slot):
        for j in range(2):
            pltpu.async_copy(table_hbm.at[idx_v.at[r, j]],
                             rows_v.at[slot, j], sems[slot])

    for r in range(NBUF - 1):
        issue(r, r)

    def group_body(g, carry):
        for b in range(NBUF):
            r = g * NBUF + b
            r_next = r + NBUF - 1
            slot_next = (b + NBUF - 1) % NBUF

            @pl.when(r_next < B_PER_W)
            def _():
                issue(r_next, slot_next)

            for j in range(2):
                pltpu.make_async_copy(table_hbm.at[idx_v.at[r, j]],
                                      rows_v.at[b, j], sems[b]).wait()

            def seq_body(t, acc):
                new = list(acc)
                for j in range(2):
                    for d in range(NREG):
                        new[j * NREG + d] = (new[j * NREG + d]
                                             + rows_v[b, j, t, pl.ds(16 * d, 16)])
                return tuple(new)

            zero = jnp.zeros((16,), jnp.float32)
            acc = lax.fori_loop(0, HALF, seq_body, (zero,) * (2 * NREG))
            for d in range(NREG):
                out_v[r, pl.ds(16 * d, 16)] = acc[d] + acc[NREG + d] + bias_regs[d]
        return carry

    lax.fori_loop(0, B_PER_W // NBUF, group_body, 0)
    pltpu.sync_copy(out_v, out_hbm.at[pl.ds(base, B_PER_W)])


def _bow(inputs3, table, bias):
    mesh = plsc.VectorSubcoreMesh(core_axis_name="c", subcore_axis_name="s")
    kern = functools.partial(
        pl.kernel,
        mesh=mesh,
        out_type=jax.ShapeDtypeStruct((B, D), jnp.float32),
        scratch_types=[
            pltpu.VMEM((B_PER_W, 2, HALF), jnp.int32),
            pltpu.VMEM((NBUF, 2, HALF, D), jnp.float32),
            pltpu.VMEM((B_PER_W, D), jnp.float32),
            pltpu.VMEM((D,), jnp.float32),
        ] + [pltpu.SemaphoreType.DMA] * NBUF,
        compiler_params=pltpu.CompilerParams(use_tc_tiling_on_sc=False),
    )(_bow_body)
    return kern(inputs3, table, bias)


def kernel(inputs, embed_weight, bias):
    inputs3 = inputs.astype(jnp.int32).reshape(B, 2, HALF)
    return _bow(inputs3, embed_weight, bias)

# --- scband reference (transcript-rebuilt; emitter-appended) ---
"""Pipeline reference for scband-bow-62380105007198 (READ-ONLY COPY).

The authoritative reference and input builder live on the scoring server;
editing this copy changes nothing except your own understanding.
"""

import jax, jax.numpy as jnp
import numpy as np

VOCAB = 100000
EMBED_DIM = 64
BATCH = 4096
SEQ = 200


def setup_inputs(seed: int = 0) -> dict:
    key = jax.random.key(seed)
    k1, k2, k3 = jax.random.split(key, 3)
    inputs = jax.random.randint(k1, (BATCH, SEQ), 0, VOCAB, dtype=jnp.int64 if jax.config.read('jax_enable_x64') else jnp.int32)
    embed_weight = jax.random.normal(k2, (VOCAB, EMBED_DIM), dtype=jnp.float32) * 0.02
    bias = jnp.zeros((EMBED_DIM,), dtype=jnp.float32)
    return {"inputs": inputs, "embed_weight": embed_weight, "bias": bias}


def reference(inputs, embed_weight, bias):
    # BOW forward: embedding lookup, sum over sequence dim, add bias
    embeds = jnp.take(embed_weight, inputs, axis=0)  # [B, S, D]
    logits = embeds.sum(axis=1) + bias  # [B, D]
    return logits

if __name__ == "__main__":
    import jax
    _d = setup_inputs()
    print(jax.jit(kernel)(*tuple(_d.values())))

</pallas_src>

<mosaic_0001>
#map = affine_map<(d0, d1) -> (0, 0, 0)>
#map1 = affine_map<(d0, d1) -> (0, 0)>
#map2 = affine_map<(d0, d1) -> (0)>
module attributes {stable_mosaic.version = 14 : i64} {
  func.func @_bow_body(%arg0: i32, %arg1: i32, %arg2: memref<4096x2x100xi32, #tpu.memory_space<hbm>>, %arg3: memref<100000x64xf32, #tpu.memory_space<hbm>>, %arg4: memref<64xf32, #tpu.memory_space<hbm>>, %arg5: memref<4096x64xf32, #tpu.memory_space<hbm>>, %arg6: memref<128x2x100xi32, #tpu.memory_space<vmem>>, %arg7: memref<4x2x100x64xf32, #tpu.memory_space<vmem>>, %arg8: memref<128x64xf32, #tpu.memory_space<vmem>>, %arg9: memref<64xf32, #tpu.memory_space<vmem>>, %arg10: memref<!tpu.dma_semaphore, #tpu.memory_space<semaphore_mem>>, %arg11: memref<!tpu.dma_semaphore, #tpu.memory_space<semaphore_mem>>, %arg12: memref<!tpu.dma_semaphore, #tpu.memory_space<semaphore_mem>>, %arg13: memref<!tpu.dma_semaphore, #tpu.memory_space<semaphore_mem>>) attributes {dimension_semantics = [#tpu.dimension_semantics<core_parallel>, #tpu.dimension_semantics<subcore_parallel>], iteration_bounds = array<i64: 2, 16>, scalar_prefetch = 0 : i64, scratch_operands = 8 : i64, tpu.core_type = #tpu.core_type<sc_vector_subcore>, window_params = [{transform_indices = #map}, {transform_indices = #map1}, {transform_indices = #map2}, {transform_indices = #map1}]} {
    %mul3A = arith.constant 2 : i32
    %mul3A_0 = arith.muli %arg1, %mul3A : i32
    %add3A = arith.addi %mul3A_0, %arg0 : i32
    %mul3A_1 = arith.constant 128 : i32
    %mul3A_2 = arith.muli %add3A, %mul3A_1 : i32
    "tpu.region"() ({
      %run_scoped3A = tpu.sem_alloc : memref<!tpu.dma_semaphore, #tpu.memory_space<semaphore_mem>>
      %dma_start3A_102 = arith.constant 0 : i32
      %dma_start3A_103 = arith.constant 0 : i32
      %dma_start3A_104 = tpu.memref_slice %arg2[%mul3A_2, %dma_start3A_102, %dma_start3A_103] : memref<4096x2x100xi32, #tpu.memory_space<hbm>> -> memref<128x2x100xi32, #tpu.memory_space<hbm>>
      %dma_start3A_105 = arith.constant 0 : i32
      %dma_start3A_106 = arith.constant 0 : i32
      %dma_start3A_107 = tpu.memref_slice %arg2[%mul3A_2, %dma_start3A_105, %dma_start3A_106] : memref<4096x2x100xi32, #tpu.memory_space<hbm>> -> memref<128x2x100xi32, #tpu.memory_space<hbm>>
      tpu.enqueue_dma source(%dma_start3A_107 : memref<128x2x100xi32, #tpu.memory_space<hbm>>) target(%arg6 : memref<128x2x100xi32, #tpu.memory_space<vmem>>) target_semaphore(%run_scoped3A : memref<!tpu.dma_semaphore, #tpu.memory_space<semaphore_mem>>)
      %dma_wait3A = arith.constant 0 : i32
      %dma_wait3A_108 = arith.constant 0 : i32
      %dma_wait3A_109 = tpu.memref_slice %arg2[%mul3A_2, %dma_wait3A, %dma_wait3A_108] : memref<4096x2x100xi32, #tpu.memory_space<hbm>> -> memref<128x2x100xi32, #tpu.memory_space<hbm>>
      %dma_wait3A_110 = arith.constant 0 : i32
      %dma_wait3A_111 = arith.constant 0 : i32
      %dma_wait3A_112 = tpu.memref_slice %arg2[%mul3A_2, %dma_wait3A_110, %dma_wait3A_111] : memref<4096x2x100xi32, #tpu.memory_space<hbm>> -> memref<128x2x100xi32, #tpu.memory_space<hbm>>
      tpu.wait_dma2 semaphore(%run_scoped3A : memref<!tpu.dma_semaphore, #tpu.memory_space<semaphore_mem>>) src(%dma_wait3A_112 : memref<128x2x100xi32, #tpu.memory_space<hbm>>) dst(%arg6 : memref<128x2x100xi32, #tpu.memory_space<vmem>>)
      tpu.yield
    }) : () -> ()
    "tpu.region"() ({
      %run_scoped3A = tpu.sem_alloc : memref<!tpu.dma_semaphore, #tpu.memory_space<semaphore_mem>>
      tpu.enqueue_dma source(%arg4 : memref<64xf32, #tpu.memory_space<hbm>>) target(%arg9 : memref<64xf32, #tpu.memory_space<vmem>>) target_semaphore(%run_scoped3A : memref<!tpu.dma_semaphore, #tpu.memory_space<semaphore_mem>>)
      tpu.wait_dma2 semaphore(%run_scoped3A : memref<!tpu.dma_semaphore, #tpu.memory_space<semaphore_mem>>) src(%arg4 : memref<64xf32, #tpu.memory_space<hbm>>) dst(%arg9 : memref<64xf32, #tpu.memory_space<vmem>>)
      tpu.yield
    }) : () -> ()
    %get3A = arith.constant 0 : index
    %get3A_3 = tpu.vector_load %arg9[%get3A] {strides = array<i32>} : memref<64xf32, #tpu.memory_space<vmem>>, vector<16xf32>,
    %get3A_4 = vector.shape_cast %get3A_3 : vector<16xf32> to vector<16xf32>
    %get3A_5 = arith.constant 16 : index
    %get3A_6 = tpu.vector_load %arg9[%get3A_5] {strides = array<i32>} : memref<64xf32, #tpu.memory_space<vmem>>, vector<16xf32>,
    %get3A_7 = vector.shape_cast %get3A_6 : vector<16xf32> to vector<16xf32>
    %get3A_8 = arith.constant 32 : index
    %get3A_9 = tpu.vector_load %arg9[%get3A_8] {strides = array<i32>} : memref<64xf32, #tpu.memory_space<vmem>>, vector<16xf32>,
    %get3A_10 = vector.shape_cast %get3A_9 : vector<16xf32> to vector<16xf32>
    %get3A_11 = arith.constant 48 : index
    %get3A_12 = tpu.vector_load %arg9[%get3A_11] {strides = array<i32>} : memref<64xf32, #tpu.memory_space<vmem>>, vector<16xf32>,
    %get3A_13 = vector.shape_cast %get3A_12 : vector<16xf32> to vector<16xf32>
    %dma_start3A = arith.constant 0 : i32
    %dma_start3A_14 = arith.constant 0 : i32
    %dma_start3A_15 = arith.constant 0 : i32
    %dma_start3A_16 = arith.constant 0 : i32
    %dma_start3A_17 = arith.constant 0 : i32
    %dma_start3A_18 = arith.constant 0 : i32
    %dma_start3A_19 = tpu.memref_slice %arg7[%dma_start3A_15, %dma_start3A_16, %dma_start3A_17, %dma_start3A_18] : memref<4x2x100x64xf32, #tpu.memory_space<vmem>> -> memref<1x1x100x64xf32, #tpu.memory_space<vmem>>
    %dma_start3A_20 = tpu.memref_squeeze %dma_start3A_19 : memref<1x1x100x64xf32, #tpu.memory_space<vmem>> -> memref<100x64xf32, #tpu.memory_space<vmem>>
    %dma_start3A_21 = arith.constant 0 : i32
    %dma_start3A_22 = tpu.memref_slice %arg6[%dma_start3A, %dma_start3A_14, %dma_start3A_21] : memref<128x2x100xi32, #tpu.memory_space<vmem>> -> memref<1x1x100xi32, #tpu.memory_space<vmem>>
    %dma_start3A_23 = tpu.memref_squeeze %dma_start3A_22 : memref<1x1x100xi32, #tpu.memory_space<vmem>> -> memref<100xi32, #tpu.memory_space<vmem>>
    %dma_start3A_24 = arith.constant 0 : i32
    %dma_start3A_25 = arith.constant 0 : i32
    %dma_start3A_26 = tpu.memref_slice %arg3[%dma_start3A_24, %dma_start3A_25] : memref<100000x64xf32, #tpu.memory_space<hbm>> -> memref<100000x64xf32, #tpu.memory_space<hbm>>
    tpu.enqueue_indirect_dma source(%dma_start3A_26 : memref<100000x64xf32, #tpu.memory_space<hbm>>) target(%dma_start3A_20 : memref<100x64xf32, #tpu.memory_space<vmem>>) offsets(%dma_start3A_23 : memref<100xi32, #tpu.memory_space<vmem>>) semaphore(%arg10 : memref<!tpu.dma_semaphore, #tpu.memory_space<semaphore_mem>>)
    %dma_start3A_27 = arith.constant 0 : i32
    %dma_start3A_28 = arith.constant 1 : i32
    %dma_start3A_29 = arith.constant 0 : i32
    %dma_start3A_30 = arith.constant 1 : i32
    %dma_start3A_31 = arith.constant 0 : i32
    %dma_start3A_32 = arith.constant 0 : i32
    %dma_start3A_33 = tpu.memref_slice %arg7[%dma_start3A_29, %dma_start3A_30, %dma_start3A_31, %dma_start3A_32] : memref<4x2x100x64xf32, #tpu.memory_space<vmem>> -> memref<1x1x100x64xf32, #tpu.memory_space<vmem>>
    %dma_start3A_34 = tpu.memref_squeeze %dma_start3A_33 : memref<1x1x100x64xf32, #tpu.memory_space<vmem>> -> memref<100x64xf32, #tpu.memory_space<vmem>>
    %dma_start3A_35 = arith.constant 0 : i32
    %dma_start3A_36 = tpu.memref_slice %arg6[%dma_start3A_27, %dma_start3A_28, %dma_start3A_35] : memref<128x2x100xi32, #tpu.memory_space<vmem>> -> memref<1x1x100xi32, #tpu.memory_space<vmem>>
    %dma_start3A_37 = tpu.memref_squeeze %dma_start3A_36 : memref<1x1x100xi32, #tpu.memory_space<vmem>> -> memref<100xi32, #tpu.memory_space<vmem>>
    %dma_start3A_38 = arith.constant 0 : i32
    %dma_start3A_39 = arith.constant 0 : i32
    %dma_start3A_40 = tpu.memref_slice %arg3[%dma_start3A_38, %dma_start3A_39] : memref<100000x64xf32, #tpu.memory_space<hbm>> -> memref<100000x64xf32, #tpu.memory_space<hbm>>
    tpu.enqueue_indirect_dma source(%dma_start3A_40 : memref<100000x64xf32, #tpu.memory_space<hbm>>) target(%dma_start3A_34 : memref<100x64xf32, #tpu.memory_space<vmem>>) offsets(%dma_start3A_37 : memref<100xi32, #tpu.memory_space<vmem>>) semaphore(%arg10 : memref<!tpu.dma_semaphore, #tpu.memory_space<semaphore_mem>>)
    %dma_start3A_41 = arith.constant 1 : i32
    %dma_start3A_42 = arith.constant 0 : i32
    %dma_start3A_43 = arith.constant 1 : i32
    %dma_start3A_44 = arith.constant 0 : i32
    %dma_start3A_45 = arith.constant 0 : i32
    %dma_start3A_46 = arith.constant 0 : i32
    %dma_start3A_47 = tpu.memref_slice %arg7[%dma_start3A_43, %dma_start3A_44, %dma_start3A_45, %dma_start3A_46] : memref<4x2x100x64xf32, #tpu.memory_space<vmem>> -> memref<1x1x100x64xf32, #tpu.memory_space<vmem>>
    %dma_start3A_48 = tpu.memref_squeeze %dma_start3A_47 : memref<1x1x100x64xf32, #tpu.memory_space<vmem>> -> memref<100x64xf32, #tpu.memory_space<vmem>>
    %dma_start3A_49 = arith.constant 0 : i32
    %dma_start3A_50 = tpu.memref_slice %arg6[%dma_start3A_41, %dma_start3A_42, %dma_start3A_49] : memref<128x2x100xi32, #tpu.memory_space<vmem>> -> memref<1x1x100xi32, #tpu.memory_space<vmem>>
    %dma_start3A_51 = tpu.memref_squeeze %dma_start3A_50 : memref<1x1x100xi32, #tpu.memory_space<vmem>> -> memref<100xi32, #tpu.memory_space<vmem>>
    %dma_start3A_52 = arith.constant 0 : i32
    %dma_start3A_53 = arith.constant 0 : i32
    %dma_start3A_54 = tpu.memref_slice %arg3[%dma_start3A_52, %dma_start3A_53] : memref<100000x64xf32, #tpu.memory_space<hbm>> -> memref<100000x64xf32, #tpu.memory_space<hbm>>
    tpu.enqueue_indirect_dma source(%dma_start3A_54 : memref<100000x64xf32, #tpu.memory_space<hbm>>) target(%dma_start3A_48 : memref<100x64xf32, #tpu.memory_space<vmem>>) offsets(%dma_start3A_51 : memref<100xi32, #tpu.memory_space<vmem>>) semaphore(%arg11 : memref<!tpu.dma_semaphore, #tpu.memory_space<semaphore_mem>>)
    %dma_start3A_55 = arith.constant 1 : i32
    %dma_start3A_56 = arith.constant 1 : i32
    %dma_start3A_57 = arith.constant 1 : i32
    %dma_start3A_58 = arith.constant 1 : i32
    %dma_start3A_59 = arith.constant 0 : i32
    %dma_start3A_60 = arith.constant 0 : i32
    %dma_start3A_61 = tpu.memref_slice %arg7[%dma_start3A_57, %dma_start3A_58, %dma_start3A_59, %dma_start3A_60] : memref<4x2x100x64xf32, #tpu.memory_space<vmem>> -> memref<1x1x100x64xf32, #tpu.memory_space<vmem>>
    %dma_start3A_62 = tpu.memref_squeeze %dma_start3A_61 : memref<1x1x100x64xf32, #tpu.memory_space<vmem>> -> memref<100x64xf32, #tpu.memory_space<vmem>>
    %dma_start3A_63 = arith.constant 0 : i32
    %dma_start3A_64 = tpu.memref_slice %arg6[%dma_start3A_55, %dma_start3A_56, %dma_start3A_63] : memref<128x2x100xi32, #tpu.memory_space<vmem>> -> memref<1x1x100xi32, #tpu.memory_space<vmem>>
    %dma_start3A_65 = tpu.memref_squeeze %dma_start3A_64 : memref<1x1x100xi32, #tpu.memory_space<vmem>> -> memref<100xi32, #tpu.memory_space<vmem>>
    %dma_start3A_66 = arith.constant 0 : i32
    %dma_start3A_67 = arith.constant 0 : i32
    %dma_start3A_68 = tpu.memref_slice %arg3[%dma_start3A_66, %dma_start3A_67] : memref<100000x64xf32, #tpu.memory_space<hbm>> -> memref<100000x64xf32, #tpu.memory_space<hbm>>
    tpu.enqueue_indirect_dma source(%dma_start3A_68 : memref<100000x64xf32, #tpu.memory_space<hbm>>) target(%dma_start3A_62 : memref<100x64xf32, #tpu.memory_space<vmem>>) offsets(%dma_start3A_65 : memref<100xi32, #tpu.memory_space<vmem>>) semaphore(%arg11 : memref<!tpu.dma_semaphore, #tpu.memory_space<semaphore_mem>>)
    %dma_start3A_69 = arith.constant 2 : i32
    %dma_start3A_70 = arith.constant 0 : i32
    %dma_start3A_71 = arith.constant 2 : i32
    %dma_start3A_72 = arith.constant 0 : i32
    %dma_start3A_73 = arith.constant 0 : i32
    %dma_start3A_74 = arith.constant 0 : i32
    %dma_start3A_75 = tpu.memref_slice %arg7[%dma_start3A_71, %dma_start3A_72, %dma_start3A_73, %dma_start3A_74] : memref<4x2x100x64xf32, #tpu.memory_space<vmem>> -> memref<1x1x100x64xf32, #tpu.memory_space<vmem>>
    %dma_start3A_76 = tpu.memref_squeeze %dma_start3A_75 : memref<1x1x100x64xf32, #tpu.memory_space<vmem>> -> memref<100x64xf32, #tpu.memory_space<vmem>>
    %dma_start3A_77 = arith.constant 0 : i32
    %dma_start3A_78 = tpu.memref_slice %arg6[%dma_start3A_69, %dma_start3A_70, %dma_start3A_77] : memref<128x2x100xi32, #tpu.memory_space<vmem>> -> memref<1x1x100xi32, #tpu.memory_space<vmem>>
    %dma_start3A_79 = tpu.memref_squeeze %dma_start3A_78 : memref<1x1x100xi32, #tpu.memory_space<vmem>> -> memref<100xi32, #tpu.memory_space<vmem>>
    %dma_start3A_80 = arith.constant 0 : i32
    %dma_start3A_81 = arith.constant 0 : i32
    %dma_start3A_82 = tpu.memref_slice %arg3[%dma_start3A_80, %dma_start3A_81] : memref<100000x64xf32, #tpu.memory_space<hbm>> -> memref<100000x64xf32, #tpu.memory_space<hbm>>
    tpu.enqueue_indirect_dma source(%dma_start3A_82 : memref<100000x64xf32, #tpu.memory_space<hbm>>) target(%dma_start3A_76 : memref<100x64xf32, #tpu.memory_space<vmem>>) offsets(%dma_start3A_79 : memref<100xi32, #tpu.memory_space<vmem>>) semaphore(%arg12 : memref<!tpu.dma_semaphore, #tpu.memory_space<semaphore_mem>>)
    %dma_start3A_83 = arith.constant 2 : i32
    %dma_start3A_84 = arith.constant 1 : i32
    %dma_start3A_85 = arith.constant 2 : i32
    %dma_start3A_86 = arith.constant 1 : i32
    %dma_start3A_87 = arith.constant 0 : i32
    %dma_start3A_88 = arith.constant 0 : i32
    %dma_start3A_89 = tpu.memref_slice %arg7[%dma_start3A_85, %dma_start3A_86, %dma_start3A_87, %dma_start3A_88] : memref<4x2x100x64xf32, #tpu.memory_space<vmem>> -> memref<1x1x100x64xf32, #tpu.memory_space<vmem>>
    %dma_start3A_90 = tpu.memref_squeeze %dma_start3A_89 : memref<1x1x100x64xf32, #tpu.memory_space<vmem>> -> memref<100x64xf32, #tpu.memory_space<vmem>>
    %dma_start3A_91 = arith.constant 0 : i32
    %dma_start3A_92 = tpu.memref_slice %arg6[%dma_start3A_83, %dma_start3A_84, %dma_start3A_91] : memref<128x2x100xi32, #tpu.memory_space<vmem>> -> memref<1x1x100xi32, #tpu.memory_space<vmem>>
    %dma_start3A_93 = tpu.memref_squeeze %dma_start3A_92 : memref<1x1x100xi32, #tpu.memory_space<vmem>> -> memref<100xi32, #tpu.memory_space<vmem>>
    %dma_start3A_94 = arith.constant 0 : i32
    %dma_start3A_95 = arith.constant 0 : i32
    %dma_start3A_96 = tpu.memref_slice %arg3[%dma_start3A_94, %dma_start3A_95] : memref<100000x64xf32, #tpu.memory_space<hbm>> -> memref<100000x64xf32, #tpu.memory_space<hbm>>
    tpu.enqueue_indirect_dma source(%dma_start3A_96 : memref<100000x64xf32, #tpu.memory_space<hbm>>) target(%dma_start3A_90 : memref<100x64xf32, #tpu.memory_space<vmem>>) offsets(%dma_start3A_93 : memref<100xi32, #tpu.memory_space<vmem>>) semaphore(%arg12 : memref<!tpu.dma_semaphore, #tpu.memory_space<semaphore_mem>>)
    %scan3A = arith.constant 0 : i32
    %scan3A_97 = arith.constant 0 : i32
    %scan3A_98 = arith.constant 32 : i32
    %scan3A_99 = arith.addi %scan3A_97, %scan3A_98 : i32
    %scan3A_100 = arith.constant 1 : i32
    scf.for %scan3A_102 = %scan3A_97 to %scan3A_99 step %scan3A_100  : i32 {
      %mul3A_103 = arith.constant 4 : i32
      %mul3A_104 = arith.muli %scan3A_102, %mul3A_103 : i32
      %add3A_105 = arith.constant 0 : i32
      %add3A_106 = arith.addi %mul3A_104, %add3A_105 : i32
      %add3A_107 = arith.constant 4 : i32
      %add3A_108 = arith.addi %add3A_106, %add3A_107 : i32
      %sub3A = arith.constant 1 : i32
      %sub3A_109 = arith.subi %add3A_108, %sub3A : i32
      %lt3A = arith.constant 128 : i32
      %lt3A_110 = arith.cmpi slt, %sub3A_109, %lt3A : i32
      %convert_element_type3A = arith.extui %lt3A_110 : i1 to i32
      %cond3A = arith.constant 0 : i32
      %cond3A_111 = arith.cmpi ne, %convert_element_type3A, %cond3A : i32
      scf.if %cond3A_111 {
        %dma_start3A_396 = arith.constant 0 : i32
        %dma_start3A_397 = arith.constant 3 : i32
        %dma_start3A_398 = arith.constant 0 : i32
        %dma_start3A_399 = arith.constant 0 : i32
        %dma_start3A_400 = arith.constant 0 : i32
        %dma_start3A_401 = tpu.memref_slice %arg7[%dma_start3A_397, %dma_start3A_398, %dma_start3A_399, %dma_start3A_400] : memref<4x2x100x64xf32, #tpu.memory_space<vmem>> -> memref<1x1x100x64xf32, #tpu.memory_space<vmem>>
        %dma_start3A_402 = tpu.memref_squeeze %dma_start3A_401 : memref<1x1x100x64xf32, #tpu.memory_space<vmem>> -> memref<100x64xf32, #tpu.memory_space<vmem>>
        %dma_start3A_403 = arith.constant 0 : i32
        %dma_start3A_404 = tpu.memref_slice %arg6[%sub3A_109, %dma_start3A_396, %dma_start3A_403] : memref<128x2x100xi32, #tpu.memory_space<vmem>> -> memref<1x1x100xi32, #tpu.memory_space<vmem>>
        %dma_start3A_405 = tpu.memref_squeeze %dma_start3A_404 : memref<1x1x100xi32, #tpu.memory_space<vmem>> -> memref<100xi32, #tpu.memory_space<vmem>>
        %dma_start3A_406 = arith.constant 0 : i32
        %dma_start3A_407 = arith.constant 0 : i32
        %dma_start3A_408 = tpu.memref_slice %arg3[%dma_start3A_406, %dma_start3A_407] : memref<100000x64xf32, #tpu.memory_space<hbm>> -> memref<100000x64xf32, #tpu.memory_space<hbm>>
        tpu.enqueue_indirect_dma source(%dma_start3A_408 : memref<100000x64xf32, #tpu.memory_space<hbm>>) target(%dma_start3A_402 : memref<100x64xf32, #tpu.memory_space<vmem>>) offsets(%dma_start3A_405 : memref<100xi32, #tpu.memory_space<vmem>>) semaphore(%arg13 : memref<!tpu.dma_semaphore, #tpu.memory_space<semaphore_mem>>)
        %dma_start3A_409 = arith.constant 1 : i32
        %dma_start3A_410 = arith.constant 3 : i32
        %dma_start3A_411 = arith.constant 1 : i32
        %dma_start3A_412 = arith.constant 0 : i32
        %dma_start3A_413 = arith.constant 0 : i32
        %dma_start3A_414 = tpu.memref_slice %arg7[%dma_start3A_410, %dma_start3A_411, %dma_start3A_412, %dma_start3A_413] : memref<4x2x100x64xf32, #tpu.memory_space<vmem>> -> memref<1x1x100x64xf32, #tpu.memory_space<vmem>>
        %dma_start3A_415 = tpu.memref_squeeze %dma_start3A_414 : memref<1x1x100x64xf32, #tpu.memory_space<vmem>> -> memref<100x64xf32, #tpu.memory_space<vmem>>
        %dma_start3A_416 = arith.constant 0 : i32
        %dma_start3A_417 = tpu.memref_slice %arg6[%sub3A_109, %dma_start3A_409, %dma_start3A_416] : memref<128x2x100xi32, #tpu.memory_space<vmem>> -> memref<1x1x100xi32, #tpu.memory_space<vmem>>
        %dma_start3A_418 = tpu.memref_squeeze %dma_start3A_417 : memref<1x1x100xi32, #tpu.memory_space<vmem>> -> memref<100xi32, #tpu.memory_space<vmem>>
        %dma_start3A_419 = arith.constant 0 : i32
        %dma_start3A_420 = arith.constant 0 : i32
        %dma_start3A_421 = tpu.memref_slice %arg3[%dma_start3A_419, %dma_start3A_420] : memref<100000x64xf32, #tpu.memory_space<hbm>> -> memref<100000x64xf32, #tpu.memory_space<hbm>>
        tpu.enqueue_indirect_dma source(%dma_start3A_421 : memref<100000x64xf32, #tpu.memory_space<hbm>>) target(%dma_start3A_415 : memref<100x64xf32, #tpu.memory_space<vmem>>) offsets(%dma_start3A_418 : memref<100xi32, #tpu.memory_space<vmem>>) semaphore(%arg13 : memref<!tpu.dma_semaphore, #tpu.memory_space<semaphore_mem>>)
      } else {
      }
      %dma_wait3A = arith.constant 0 : i32
      %dma_wait3A_112 = arith.constant 0 : i32
      %dma_wait3A_113 = arith.constant 0 : i32
      %dma_wait3A_114 = arith.constant 0 : i32
      %dma_wait3A_115 = arith.constant 0 : i32
      %dma_wait3A_116 = tpu.memref_slice %arg7[%dma_wait3A_112, %dma_wait3A_113, %dma_wait3A_114, %dma_wait3A_115] : memref<4x2x100x64xf32, #tpu.memory_space<vmem>> -> memref<1x1x100x64xf32, #tpu.memory_space<vmem>>
      %dma_wait3A_117 = tpu.memref_squeeze %dma_wait3A_116 : memref<1x1x100x64xf32, #tpu.memory_space<vmem>> -> memref<100x64xf32, #tpu.memory_space<vmem>>
      %dma_wait3A_118 = arith.constant 0 : i32
      %dma_wait3A_119 = tpu.memref_slice %arg6[%add3A_106, %dma_wait3A, %dma_wait3A_118] : memref<128x2x100xi32, #tpu.memory_space<vmem>> -> memref<1x1x100xi32, #tpu.memory_space<vmem>>
      %dma_wait3A_120 = tpu.memref_squeeze %dma_wait3A_119 : memref<1x1x100xi32, #tpu.memory_space<vmem>> -> memref<100xi32, #tpu.memory_space<vmem>>
      %dma_wait3A_121 = arith.constant 0 : i32
      %dma_wait3A_122 = arith.constant 0 : i32
      %dma_wait3A_123 = tpu.memref_slice %arg3[%dma_wait3A_121, %dma_wait3A_122] : memref<100000x64xf32, #tpu.memory_space<hbm>> -> memref<100000x64xf32, #tpu.memory_space<hbm>>
      tpu.wait_indirect_dma semaphore(%arg10 : memref<!tpu.dma_semaphore, #tpu.memory_space<semaphore_mem>>) src(%dma_wait3A_123 : memref<100000x64xf32, #tpu.memory_space<hbm>>) dst(%dma_wait3A_117 : memref<100x64xf32, #tpu.memory_space<vmem>>)
      %dma_wait3A_124 = arith.constant 1 : i32
      %dma_wait3A_125 = arith.constant 0 : i32
      %dma_wait3A_126 = arith.constant 1 : i32
      %dma_wait3A_127 = arith.constant 0 : i32
      %dma_wait3A_128 = arith.constant 0 : i32
      %dma_wait3A_129 = tpu.memref_slice %arg7[%dma_wait3A_125, %dma_wait3A_126, %dma_wait3A_127, %dma_wait3A_128] : memref<4x2x100x64xf32, #tpu.memory_space<vmem>> -> memref<1x1x100x64xf32, #tpu.memory_space<vmem>>
      %dma_wait3A_130 = tpu.memref_squeeze %dma_wait3A_129 : memref<1x1x100x64xf32, #tpu.memory_space<vmem>> -> memref<100x64xf32, #tpu.memory_space<vmem>>
      %dma_wait3A_131 = arith.constant 0 : i32
      %dma_wait3A_132 = tpu.memref_slice %arg6[%add3A_106, %dma_wait3A_124, %dma_wait3A_131] : memref<128x2x100xi32, #tpu.memory_space<vmem>> -> memref<1x1x100xi32, #tpu.memory_space<vmem>>
      %dma_wait3A_133 = tpu.memref_squeeze %dma_wait3A_132 : memref<1x1x100xi32, #tpu.memory_space<vmem>> -> memref<100xi32, #tpu.memory_space<vmem>>
      %dma_wait3A_134 = arith.constant 0 : i32
      %dma_wait3A_135 = arith.constant 0 : i32
      %dma_wait3A_136 = tpu.memref_slice %arg3[%dma_wait3A_134, %dma_wait3A_135] : memref<100000x64xf32, #tpu.memory_space<hbm>> -> memref<100000x64xf32, #tpu.memory_space<hbm>>
      tpu.wait_indirect_dma semaphore(%arg10 : memref<!tpu.dma_semaphore, #tpu.memory_space<semaphore_mem>>) src(%dma_wait3A_136 : memref<100000x64xf32, #tpu.memory_space<hbm>>) dst(%dma_wait3A_130 : memref<100x64xf32, #tpu.memory_space<vmem>>)
      %broadcast_in_dim3A = arith.constant 0.000000e+00 : f32
      %broadcast_in_dim3A_137 = vector.broadcast %broadcast_in_dim3A : f32 to vector<16xf32>
      %scan3A_138 = arith.constant 0 : i32
      %scan3A_139 = arith.constant 100 : i32
      %scan3A_140 = arith.addi %scan3A_138, %scan3A_139 : i32
      %scan3A_141 = arith.constant 1 : i32
      %scan3A_142:8 = scf.for %scan3A_396 = %scan3A_138 to %scan3A_140 step %scan3A_141 iter_args(%scan3A_397 = %broadcast_in_dim3A_137, %scan3A_398 = %broadcast_in_dim3A_137, %scan3A_399 = %broadcast_in_dim3A_137, %scan3A_400 = %broadcast_in_dim3A_137, %scan3A_401 = %broadcast_in_dim3A_137, %scan3A_402 = %broadcast_in_dim3A_137, %scan3A_403 = %broadcast_in_dim3A_137, %scan3A_404 = %broadcast_in_dim3A_137) -> (vector<16xf32>, vector<16xf32>, vector<16xf32>, vector<16xf32>, vector<16xf32>, vector<16xf32>, vector<16xf32>, vector<16xf32>)  : i32 {
        %get3A_405 = arith.constant 0 : i32
        %get3A_406 = arith.constant 0 : i32
        %get3A_407 = arith.index_cast %get3A_405 : i32 to index
        %get3A_408 = arith.index_cast %get3A_406 : i32 to index
        %get3A_409 = arith.index_cast %scan3A_396 : i32 to index
        %get3A_410 = arith.constant 0 : index
        %get3A_411 = tpu.vector_load %arg7[%get3A_407, %get3A_408, %get3A_409, %get3A_410] {strides = array<i32>} : memref<4x2x100x64xf32, #tpu.memory_space<vmem>>, vector<1x1x1x16xf32>,
        %get3A_412 = vector.shape_cast %get3A_411 : vector<1x1x1x16xf32> to vector<16xf32>
        %add3A_413 = arith.addf %scan3A_397, %get3A_412 : vector<16xf32>
        %get3A_414 = arith.constant 0 : i32
        %get3A_415 = arith.constant 0 : i32
        %get3A_416 = arith.index_cast %get3A_414 : i32 to index
        %get3A_417 = arith.index_cast %get3A_415 : i32 to index
        %get3A_418 = arith.index_cast %scan3A_396 : i32 to index
        %get3A_419 = arith.constant 16 : index
        %get3A_420 = tpu.vector_load %arg7[%get3A_416, %get3A_417, %get3A_418, %get3A_419] {strides = array<i32>} : memref<4x2x100x64xf32, #tpu.memory_space<vmem>>, vector<1x1x1x16xf32>,
        %get3A_421 = vector.shape_cast %get3A_420 : vector<1x1x1x16xf32> to vector<16xf32>
        %add3A_422 = arith.addf %scan3A_398, %get3A_421 : vector<16xf32>
        %get3A_423 = arith.constant 0 : i32
        %get3A_424 = arith.constant 0 : i32
        %get3A_425 = arith.index_cast %get3A_423 : i32 to index
        %get3A_426 = arith.index_cast %get3A_424 : i32 to index
        %get3A_427 = arith.index_cast %scan3A_396 : i32 to index
        %get3A_428 = arith.constant 32 : index
        %get3A_429 = tpu.vector_load %arg7[%get3A_425, %get3A_426, %get3A_427, %get3A_428] {strides = array<i32>} : memref<4x2x100x64xf32, #tpu.memory_space<vmem>>, vector<1x1x1x16xf32>,
        %get3A_430 = vector.shape_cast %get3A_429 : vector<1x1x1x16xf32> to vector<16xf32>
        %add3A_431 = arith.addf %scan3A_399, %get3A_430 : vector<16xf32>
        %get3A_432 = arith.constant 0 : i32
        %get3A_433 = arith.constant 0 : i32
        %get3A_434 = arith.index_cast %get3A_432 : i32 to index
        %get3A_435 = arith.index_cast %get3A_433 : i32 to index
        %get3A_436 = arith.index_cast %scan3A_396 : i32 to index
        %get3A_437 = arith.constant 48 : index
        %get3A_438 = tpu.vector_load %arg7[%get3A_434, %get3A_435, %get3A_436, %get3A_437] {strides = array<i32>} : memref<4x2x100x64xf32, #tpu.memory_space<vmem>>, vector<1x1x1x16xf32>,
        %get3A_439 = vector.shape_cast %get3A_438 : vector<1x1x1x16xf32> to vector<16xf32>
        %add3A_440 = arith.addf %scan3A_400, %get3A_439 : vector<16xf32>
        %get3A_441 = arith.constant 0 : i32
        %get3A_442 = arith.constant 1 : i32
        %get3A_443 = arith.index_cast %get3A_441 : i32 to index
        %get3A_444 = arith.index_cast %get3A_442 : i32 to index
        %get3A_445 = arith.index_cast %scan3A_396 : i32 to index
        %get3A_446 = arith.constant 0 : index
        %get3A_447 = tpu.vector_load %arg7[%get3A_443, %get3A_444, %get3A_445, %get3A_446] {strides = array<i32>} : memref<4x2x100x64xf32, #tpu.memory_space<vmem>>, vector<1x1x1x16xf32>,
        %get3A_448 = vector.shape_cast %get3A_447 : vector<1x1x1x16xf32> to vector<16xf32>
        %add3A_449 = arith.addf %scan3A_401, %get3A_448 : vector<16xf32>
        %get3A_450 = arith.constant 0 : i32
        %get3A_451 = arith.constant 1 : i32
        %get3A_452 = arith.index_cast %get3A_450 : i32 to index
        %get3A_453 = arith.index_cast %get3A_451 : i32 to index
        %get3A_454 = arith.index_cast %scan3A_396 : i32 to index
        %get3A_455 = arith.constant 16 : index
        %get3A_456 = tpu.vector_load %arg7[%get3A_452, %get3A_453, %get3A_454, %get3A_455] {strides = array<i32>} : memref<4x2x100x64xf32, #tpu.memory_space<vmem>>, vector<1x1x1x16xf32>,
        %get3A_457 = vector.shape_cast %get3A_456 : vector<1x1x1x16xf32> to vector<16xf32>
        %add3A_458 = arith.addf %scan3A_402, %get3A_457 : vector<16xf32>
        %get3A_459 = arith.constant 0 : i32
        %get3A_460 = arith.constant 1 : i32
        %get3A_461 = arith.index_cast %get3A_459 : i32 to index
        %get3A_462 = arith.index_cast %get3A_460 : i32 to index
        %get3A_463 = arith.index_cast %scan3A_396 : i32 to index
        %get3A_464 = arith.constant 32 : index
        %get3A_465 = tpu.vector_load %arg7[%get3A_461, %get3A_462, %get3A_463, %get3A_464] {strides = array<i32>} : memref<4x2x100x64xf32, #tpu.memory_space<vmem>>, vector<1x1x1x16xf32>,
        %get3A_466 = vector.shape_cast %get3A_465 : vector<1x1x1x16xf32> to vector<16xf32>
        %add3A_467 = arith.addf %scan3A_403, %get3A_466 : vector<16xf32>
        %get3A_468 = arith.constant 0 : i32
        %get3A_469 = arith.constant 1 : i32
        %get3A_470 = arith.index_cast %get3A_468 : i32 to index
        %get3A_471 = arith.index_cast %get3A_469 : i32 to index
        %get3A_472 = arith.index_cast %scan3A_396 : i32 to index
        %get3A_473 = arith.constant 48 : index
        %get3A_474 = tpu.vector_load %arg7[%get3A_470, %get3A_471, %get3A_472, %get3A_473] {strides = array<i32>} : memref<4x2x100x64xf32, #tpu.memory_space<vmem>>, vector<1x1x1x16xf32>,
        %get3A_475 = vector.shape_cast %get3A_474 : vector<1x1x1x16xf32> to vector<16xf32>
        %add3A_476 = arith.addf %scan3A_404, %get3A_475 : vector<16xf32>
        scf.yield %add3A_413, %add3A_422, %add3A_431, %add3A_440, %add3A_449, %add3A_458, %add3A_467, %add3A_476 : vector<16xf32>, vector<16xf32>, vector<16xf32>, vector<16xf32>, vector<16xf32>, vector<16xf32>, vector<16xf32>, vector<16xf32>
      }
      %scan3A_143 = arith.constant 100 : i32
      %add3A_144 = arith.addf %scan3A_142#0, %scan3A_142#4 : vector<16xf32>
      %add3A_145 = arith.addf %add3A_144, %get3A_4 : vector<16xf32>
      %swap3A = arith.index_cast %add3A_106 : i32 to index
      %swap3A_146 = arith.constant 0 : index
      %swap3A_147 = tpu.vector_load %arg8[%swap3A, %swap3A_146] {strides = array<i32>} : memref<128x64xf32, #tpu.memory_space<vmem>>, vector<1x16xf32>,
      %swap3A_148 = vector.shape_cast %swap3A_147 : vector<1x16xf32> to vector<16xf32>
      %swap3A_149 = vector.shape_cast %add3A_145 : vector<16xf32> to vector<1x16xf32>
      tpu.vector_store %arg8[%swap3A, %swap3A_146], %swap3A_149 {strides = array<i32>} : memref<128x64xf32, #tpu.memory_space<vmem>>, vector<1x16xf32>,
      %add3A_150 = arith.addf %scan3A_142#1, %scan3A_142#5 : vector<16xf32>
      %add3A_151 = arith.addf %add3A_150, %get3A_7 : vector<16xf32>
      %swap3A_152 = arith.index_cast %add3A_106 : i32 to index
      %swap3A_153 = arith.constant 16 : index
      %swap3A_154 = tpu.vector_load %arg8[%swap3A_152, %swap3A_153] {strides = array<i32>} : memref<128x64xf32, #tpu.memory_space<vmem>>, vector<1x16xf32>,
      %swap3A_155 = vector.shape_cast %swap3A_154 : vector<1x16xf32> to vector<16xf32>
      %swap3A_156 = vector.shape_cast %add3A_151 : vector<16xf32> to vector<1x16xf32>
      tpu.vector_store %arg8[%swap3A_152, %swap3A_153], %swap3A_156 {strides = array<i32>} : memref<128x64xf32, #tpu.memory_space<vmem>>, vector<1x16xf32>,
      %add3A_157 = arith.addf %scan3A_142#2, %scan3A_142#6 : vector<16xf32>
      %add3A_158 = arith.addf %add3A_157, %get3A_10 : vector<16xf32>
      %swap3A_159 = arith.index_cast %add3A_106 : i32 to index
      %swap3A_160 = arith.constant 32 : index
      %swap3A_161 = tpu.vector_load %arg8[%swap3A_159, %swap3A_160] {strides = array<i32>} : memref<128x64xf32, #tpu.memory_space<vmem>>, vector<1x16xf32>,
      %swap3A_162 = vector.shape_cast %swap3A_161 : vector<1x16xf32> to vector<16xf32>
      %swap3A_163 = vector.shape_cast %add3A_158 : vector<16xf32> to vector<1x16xf32>
      tpu.vector_store %arg8[%swap3A_159, %swap3A_160], %swap3A_163 {strides = array<i32>} : memref<128x64xf32, #tpu.memory_space<vmem>>, vector<1x16xf32>,
      %add3A_164 = arith.addf %scan3A_142#3, %scan3A_142#7 : vector<16xf32>
      %add3A_165 = arith.addf %add3A_164, %get3A_13 : vector<16xf32>
      %swap3A_166 = arith.index_cast %add3A_106 : i32 to index
      %swap3A_167 = arith.constant 48 : index
      %swap3A_168 = tpu.vector_load %arg8[%swap3A_166, %swap3A_167] {strides = array<i32>} : memref<128x64xf32, #tpu.memory_space<vmem>>, vector<1x16xf32>,
      %swap3A_169 = vector.shape_cast %swap3A_168 : vector<1x16xf32> to vector<16xf32>
      %swap3A_170 = vector.shape_cast %add3A_165 : vector<16xf32> to vector<1x16xf32>
      tpu.vector_store %arg8[%swap3A_166, %swap3A_167], %swap3A_170 {strides = array<i32>} : memref<128x64xf32, #tpu.memory_space<vmem>>, vector<1x16xf32>,
      %mul3A_171 = arith.constant 4 : i32
      %mul3A_172 = arith.muli %scan3A_102, %mul3A_171 : i32
      %add3A_173 = arith.constant 1 : i32
      %add3A_174 = arith.addi %mul3A_172, %add3A_173 : i32
      %add3A_175 = arith.constant 4 : i32
      %add3A_176 = arith.addi %add3A_174, %add3A_175 : i32
      %sub3A_177 = arith.constant 1 : i32
      %sub3A_178 = arith.subi %add3A_176, %sub3A_177 : i32
      %lt3A_179 = arith.constant 128 : i32
      %lt3A_180 = arith.cmpi slt, %sub3A_178, %lt3A_179 : i32
      %convert_element_type3A_181 = arith.extui %lt3A_180 : i1 to i32
      %cond3A_182 = arith.constant 0 : i32
      %cond3A_183 = arith.cmpi ne, %convert_element_type3A_181, %cond3A_182 : i32
      scf.if %cond3A_183 {
        %dma_start3A_396 = arith.constant 0 : i32
        %dma_start3A_397 = arith.constant 0 : i32
        %dma_start3A_398 = arith.constant 0 : i32
        %dma_start3A_399 = arith.constant 0 : i32
        %dma_start3A_400 = arith.constant 0 : i32
        %dma_start3A_401 = tpu.memref_slice %arg7[%dma_start3A_397, %dma_start3A_398, %dma_start3A_399, %dma_start3A_400] : memref<4x2x100x64xf32, #tpu.memory_space<vmem>> -> memref<1x1x100x64xf32, #tpu.memory_space<vmem>>
        %dma_start3A_402 = tpu.memref_squeeze %dma_start3A_401 : memref<1x1x100x64xf32, #tpu.memory_space<vmem>> -> memref<100x64xf32, #tpu.memory_space<vmem>>
        %dma_start3A_403 = arith.constant 0 : i32
        %dma_start3A_404 = tpu.memref_slice %arg6[%sub3A_178, %dma_start3A_396, %dma_start3A_403] : memref<128x2x100xi32, #tpu.memory_space<vmem>> -> memref<1x1x100xi32, #tpu.memory_space<vmem>>
        %dma_start3A_405 = tpu.memref_squeeze %dma_start3A_404 : memref<1x1x100xi32, #tpu.memory_space<vmem>> -> memref<100xi32, #tpu.memory_space<vmem>>
        %dma_start3A_406 = arith.constant 0 : i32
        %dma_start3A_407 = arith.constant 0 : i32
        %dma_start3A_408 = tpu.memref_slice %arg3[%dma_start3A_406, %dma_start3A_407] : memref<100000x64xf32, #tpu.memory_space<hbm>> -> memref<100000x64xf32, #tpu.memory_space<hbm>>
        tpu.enqueue_indirect_dma source(%dma_start3A_408 : memref<100000x64xf32, #tpu.memory_space<hbm>>) target(%dma_start3A_402 : memref<100x64xf32, #tpu.memory_space<vmem>>) offsets(%dma_start3A_405 : memref<100xi32, #tpu.memory_space<vmem>>) semaphore(%arg10 : memref<!tpu.dma_semaphore, #tpu.memory_space<semaphore_mem>>)
        %dma_start3A_409 = arith.constant 1 : i32
        %dma_start3A_410 = arith.constant 0 : i32
        %dma_start3A_411 = arith.constant 1 : i32
        %dma_start3A_412 = arith.constant 0 : i32
        %dma_start3A_413 = arith.constant 0 : i32
        %dma_start3A_414 = tpu.memref_slice %arg7[%dma_start3A_410, %dma_start3A_411, %dma_start3A_412, %dma_start3A_413] : memref<4x2x100x64xf32, #tpu.memory_space<vmem>> -> memref<1x1x100x64xf32, #tpu.memory_space<vmem>>
        %dma_start3A_415 = tpu.memref_squeeze %dma_start3A_414 : memref<1x1x100x64xf32, #tpu.memory_space<vmem>> -> memref<100x64xf32, #tpu.memory_space<vmem>>
        %dma_start3A_416 = arith.constant 0 : i32
        %dma_start3A_417 = tpu.memref_slice %arg6[%sub3A_178, %dma_start3A_409, %dma_start3A_416] : memref<128x2x100xi32, #tpu.memory_space<vmem>> -> memref<1x1x100xi32, #tpu.memory_space<vmem>>
        %dma_start3A_418 = tpu.memref_squeeze %dma_start3A_417 : memref<1x1x100xi32, #tpu.memory_space<vmem>> -> memref<100xi32, #tpu.memory_space<vmem>>
        %dma_start3A_419 = arith.constant 0 : i32
        %dma_start3A_420 = arith.constant 0 : i32
        %dma_start3A_421 = tpu.memref_slice %arg3[%dma_start3A_419, %dma_start3A_420] : memref<100000x64xf32, #tpu.memory_space<hbm>> -> memref<100000x64xf32, #tpu.memory_space<hbm>>
        tpu.enqueue_indirect_dma source(%dma_start3A_421 : memref<100000x64xf32, #tpu.memory_space<hbm>>) target(%dma_start3A_415 : memref<100x64xf32, #tpu.memory_space<vmem>>) offsets(%dma_start3A_418 : memref<100xi32, #tpu.memory_space<vmem>>) semaphore(%arg10 : memref<!tpu.dma_semaphore, #tpu.memory_space<semaphore_mem>>)
      } else {
      }
      %dma_wait3A_184 = arith.constant 0 : i32
      %dma_wait3A_185 = arith.constant 1 : i32
      %dma_wait3A_186 = arith.constant 0 : i32
      %dma_wait3A_187 = arith.constant 0 : i32
      %dma_wait3A_188 = arith.constant 0 : i32
      %dma_wait3A_189 = tpu.memref_slice %arg7[%dma_wait3A_185, %dma_wait3A_186, %dma_wait3A_187, %dma_wait3A_188] : memref<4x2x100x64xf32, #tpu.memory_space<vmem>> -> memref<1x1x100x64xf32, #tpu.memory_space<vmem>>
      %dma_wait3A_190 = tpu.memref_squeeze %dma_wait3A_189 : memref<1x1x100x64xf32, #tpu.memory_space<vmem>> -> memref<100x64xf32, #tpu.memory_space<vmem>>
      %dma_wait3A_191 = arith.constant 0 : i32
      %dma_wait3A_192 = tpu.memref_slice %arg6[%add3A_174, %dma_wait3A_184, %dma_wait3A_191] : memref<128x2x100xi32, #tpu.memory_space<vmem>> -> memref<1x1x100xi32, #tpu.memory_space<vmem>>
      %dma_wait3A_193 = tpu.memref_squeeze %dma_wait3A_192 : memref<1x1x100xi32, #tpu.memory_space<vmem>> -> memref<100xi32, #tpu.memory_space<vmem>>
      %dma_wait3A_194 = arith.constant 0 : i32
      %dma_wait3A_195 = arith.constant 0 : i32
      %dma_wait3A_196 = tpu.memref_slice %arg3[%dma_wait3A_194, %dma_wait3A_195] : memref<100000x64xf32, #tpu.memory_space<hbm>> -> memref<100000x64xf32, #tpu.memory_space<hbm>>
      tpu.wait_indirect_dma semaphore(%arg11 : memref<!tpu.dma_semaphore, #tpu.memory_space<semaphore_mem>>) src(%dma_wait3A_196 : memref<100000x64xf32, #tpu.memory_space<hbm>>) dst(%dma_wait3A_190 : memref<100x64xf32, #tpu.memory_space<vmem>>)
      %dma_wait3A_197 = arith.constant 1 : i32
      %dma_wait3A_198 = arith.constant 1 : i32
      %dma_wait3A_199 = arith.constant 1 : i32
      %dma_wait3A_200 = arith.constant 0 : i32
      %dma_wait3A_201 = arith.constant 0 : i32
      %dma_wait3A_202 = tpu.memref_slice %arg7[%dma_wait3A_198, %dma_wait3A_199, %dma_wait3A_200, %dma_wait3A_201] : memref<4x2x100x64xf32, #tpu.memory_space<vmem>> -> memref<1x1x100x64xf32, #tpu.memory_space<vmem>>
      %dma_wait3A_203 = tpu.memref_squeeze %dma_wait3A_202 : memref<1x1x100x64xf32, #tpu.memory_space<vmem>> -> memref<100x64xf32, #tpu.memory_space<vmem>>
      %dma_wait3A_204 = arith.constant 0 : i32
      %dma_wait3A_205 = tpu.memref_slice %arg6[%add3A_174, %dma_wait3A_197, %dma_wait3A_204] : memref<128x2x100xi32, #tpu.memory_space<vmem>> -> memref<1x1x100xi32, #tpu.memory_space<vmem>>
      %dma_wait3A_206 = tpu.memref_squeeze %dma_wait3A_205 : memref<1x1x100xi32, #tpu.memory_space<vmem>> -> memref<100xi32, #tpu.memory_space<vmem>>
      %dma_wait3A_207 = arith.constant 0 : i32
      %dma_wait3A_208 = arith.constant 0 : i32
      %dma_wait3A_209 = tpu.memref_slice %arg3[%dma_wait3A_207, %dma_wait3A_208] : memref<100000x64xf32, #tpu.memory_space<hbm>> -> memref<100000x64xf32, #tpu.memory_space<hbm>>
      tpu.wait_indirect_dma semaphore(%arg11 : memref<!tpu.dma_semaphore, #tpu.memory_space<semaphore_mem>>) src(%dma_wait3A_209 : memref<100000x64xf32, #tpu.memory_space<hbm>>) dst(%dma_wait3A_203 : memref<100x64xf32, #tpu.memory_space<vmem>>)
      %broadcast_in_dim3A_210 = arith.constant 0.000000e+00 : f32
      %broadcast_in_dim3A_211 = vector.broadcast %broadcast_in_dim3A_210 : f32 to vector<16xf32>
      %scan3A_212 = arith.constant 0 : i32
      %scan3A_213 = arith.constant 100 : i32
      %scan3A_214 = arith.addi %scan3A_212, %scan3A_213 : i32
      %scan3A_215 = arith.constant 1 : i32
      %scan3A_216:8 = scf.for %scan3A_396 = %scan3A_212 to %scan3A_214 step %scan3A_215 iter_args(%scan3A_397 = %broadcast_in_dim3A_211, %scan3A_398 = %broadcast_in_dim3A_211, %scan3A_399 = %broadcast_in_dim3A_211, %scan3A_400 = %broadcast_in_dim3A_211, %scan3A_401 = %broadcast_in_dim3A_211, %scan3A_402 = %broadcast_in_dim3A_211, %scan3A_403 = %broadcast_in_dim3A_211, %scan3A_404 = %broadcast_in_dim3A_211) -> (vector<16xf32>, vector<16xf32>, vector<16xf32>, vector<16xf32>, vector<16xf32>, vector<16xf32>, vector<16xf32>, vector<16xf32>)  : i32 {
        %get3A_405 = arith.constant 1 : i32
        %get3A_406 = arith.constant 0 : i32
        %get3A_407 = arith.index_cast %get3A_405 : i32 to index
        %get3A_408 = arith.index_cast %get3A_406 : i32 to index
        %get3A_409 = arith.index_cast %scan3A_396 : i32 to index
        %get3A_410 = arith.constant 0 : index
        %get3A_411 = tpu.vector_load %arg7[%get3A_407, %get3A_408, %get3A_409, %get3A_410] {strides = array<i32>} : memref<4x2x100x64xf32, #tpu.memory_space<vmem>>, vector<1x1x1x16xf32>,
        %get3A_412 = vector.shape_cast %get3A_411 : vector<1x1x1x16xf32> to vector<16xf32>
        %add3A_413 = arith.addf %scan3A_397, %get3A_412 : vector<16xf32>
        %get3A_414 = arith.constant 1 : i32
        %get3A_415 = arith.constant 0 : i32
        %get3A_416 = arith.index_cast %get3A_414 : i32 to index
        %get3A_417 = arith.index_cast %get3A_415 : i32 to index
        %get3A_418 = arith.index_cast %scan3A_396 : i32 to index
        %get3A_419 = arith.constant 16 : index
        %get3A_420 = tpu.vector_load %arg7[%get3A_416, %get3A_417, %get3A_418, %get3A_419] {strides = array<i32>} : memref<4x2x100x64xf32, #tpu.memory_space<vmem>>, vector<1x1x1x16xf32>,
        %get3A_421 = vector.shape_cast %get3A_420 : vector<1x1x1x16xf32> to vector<16xf32>
        %add3A_422 = arith.addf %scan3A_398, %get3A_421 : vector<16xf32>
        %get3A_423 = arith.constant 1 : i32
        %get3A_424 = arith.constant 0 : i32
        %get3A_425 = arith.index_cast %get3A_423 : i32 to index
        %get3A_426 = arith.index_cast %get3A_424 : i32 to index
        %get3A_427 = arith.index_cast %scan3A_396 : i32 to index
        %get3A_428 = arith.constant 32 : index
        %get3A_429 = tpu.vector_load %arg7[%get3A_425, %get3A_426, %get3A_427, %get3A_428] {strides = array<i32>} : memref<4x2x100x64xf32, #tpu.memory_space<vmem>>, vector<1x1x1x16xf32>,
        %get3A_430 = vector.shape_cast %get3A_429 : vector<1x1x1x16xf32> to vector<16xf32>
        %add3A_431 = arith.addf %scan3A_399, %get3A_430 : vector<16xf32>
        %get3A_432 = arith.constant 1 : i32
        %get3A_433 = arith.constant 0 : i32
        %get3A_434 = arith.index_cast %get3A_432 : i32 to index
        %get3A_435 = arith.index_cast %get3A_433 : i32 to index
        %get3A_436 = arith.index_cast %scan3A_396 : i32 to index
        %get3A_437 = arith.constant 48 : index
        %get3A_438 = tpu.vector_load %arg7[%get3A_434, %get3A_435, %get3A_436, %get3A_437] {strides = array<i32>} : memref<4x2x100x64xf32, #tpu.memory_space<vmem>>, vector<1x1x1x16xf32>,
        %get3A_439 = vector.shape_cast %get3A_438 : vector<1x1x1x16xf32> to vector<16xf32>
        %add3A_440 = arith.addf %scan3A_400, %get3A_439 : vector<16xf32>
        %get3A_441 = arith.constant 1 : i32
        %get3A_442 = arith.constant 1 : i32
        %get3A_443 = arith.index_cast %get3A_441 : i32 to index
        %get3A_444 = arith.index_cast %get3A_442 : i32 to index
        %get3A_445 = arith.index_cast %scan3A_396 : i32 to index
        %get3A_446 = arith.constant 0 : index
        %get3A_447 = tpu.vector_load %arg7[%get3A_443, %get3A_444, %get3A_445, %get3A_446] {strides = array<i32>} : memref<4x2x100x64xf32, #tpu.memory_space<vmem>>, vector<1x1x1x16xf32>,
        %get3A_448 = vector.shape_cast %get3A_447 : vector<1x1x1x16xf32> to vector<16xf32>
        %add3A_449 = arith.addf %scan3A_401, %get3A_448 : vector<16xf32>
        %get3A_450 = arith.constant 1 : i32
        %get3A_451 = arith.constant 1 : i32
        %get3A_452 = arith.index_cast %get3A_450 : i32 to index
        %get3A_453 = arith.index_cast %get3A_451 : i32 to index
        %get3A_454 = arith.index_cast %scan3A_396 : i32 to index
        %get3A_455 = arith.constant 16 : index
        %get3A_456 = tpu.vector_load %arg7[%get3A_452, %get3A_453, %get3A_454, %get3A_455] {strides = array<i32>} : memref<4x2x100x64xf32, #tpu.memory_space<vmem>>, vector<1x1x1x16xf32>,
        %get3A_457 = vector.shape_cast %get3A_456 : vector<1x1x1x16xf32> to vector<16xf32>
        %add3A_458 = arith.addf %scan3A_402, %get3A_457 : vector<16xf32>
        %get3A_459 = arith.constant 1 : i32
        %get3A_460 = arith.constant 1 : i32
        %get3A_461 = arith.index_cast %get3A_459 : i32 to index
        %get3A_462 = arith.index_cast %get3A_460 : i32 to index
        %get3A_463 = arith.index_cast %scan3A_396 : i32 to index
        %get3A_464 = arith.constant 32 : index
        %get3A_465 = tpu.vector_load %arg7[%get3A_461, %get3A_462, %get3A_463, %get3A_464] {strides = array<i32>} : memref<4x2x100x64xf32, #tpu.memory_space<vmem>>, vector<1x1x1x16xf32>,
        %get3A_466 = vector.shape_cast %get3A_465 : vector<1x1x1x16xf32> to vector<16xf32>
        %add3A_467 = arith.addf %scan3A_403, %get3A_466 : vector<16xf32>
        %get3A_468 = arith.constant 1 : i32
        %get3A_469 = arith.constant 1 : i32
        %get3A_470 = arith.index_cast %get3A_468 : i32 to index
        %get3A_471 = arith.index_cast %get3A_469 : i32 to index
        %get3A_472 = arith.index_cast %scan3A_396 : i32 to index
        %get3A_473 = arith.constant 48 : index
        %get3A_474 = tpu.vector_load %arg7[%get3A_470, %get3A_471, %get3A_472, %get3A_473] {strides = array<i32>} : memref<4x2x100x64xf32, #tpu.memory_space<vmem>>, vector<1x1x1x16xf32>,
        %get3A_475 = vector.shape_cast %get3A_474 : vector<1x1x1x16xf32> to vector<16xf32>
        %add3A_476 = arith.addf %scan3A_404, %get3A_475 : vector<16xf32>
        scf.yield %add3A_413, %add3A_422, %add3A_431, %add3A_440, %add3A_449, %add3A_458, %add3A_467, %add3A_476 : vector<16xf32>, vector<16xf32>, vector<16xf32>, vector<16xf32>, vector<16xf32>, vector<16xf32>, vector<16xf32>, vector<16xf32>
      }
      %scan3A_217 = arith.constant 100 : i32
      %add3A_218 = arith.addf %scan3A_216#0, %scan3A_216#4 : vector<16xf32>
      %add3A_219 = arith.addf %add3A_218, %get3A_4 : vector<16xf32>
      %swap3A_220 = arith.index_cast %add3A_174 : i32 to index
      %swap3A_221 = arith.constant 0 : index
      %swap3A_222 = tpu.vector_load %arg8[%swap3A_220, %swap3A_221] {strides = array<i32>} : memref<128x64xf32, #tpu.memory_space<vmem>>, vector<1x16xf32>,
      %swap3A_223 = vector.shape_cast %swap3A_222 : vector<1x16xf32> to vector<16xf32>
      %swap3A_224 = vector.shape_cast %add3A_219 : vector<16xf32> to vector<1x16xf32>
      tpu.vector_store %arg8[%swap3A_220, %swap3A_221], %swap3A_224 {strides = array<i32>} : memref<128x64xf32, #tpu.memory_space<vmem>>, vector<1x16xf32>,
      %add3A_225 = arith.addf %scan3A_216#1, %scan3A_216#5 : vector<16xf32>
      %add3A_226 = arith.addf %add3A_225, %get3A_7 : vector<16xf32>
      %swap3A_227 = arith.index_cast %add3A_174 : i32 to index
      %swap3A_228 = arith.constant 16 : index
      %swap3A_229 = tpu.vector_load %arg8[%swap3A_227, %swap3A_228] {strides = array<i32>} : memref<128x64xf32, #tpu.memory_space<vmem>>, vector<1x16xf32>,
      %swap3A_230 = vector.shape_cast %swap3A_229 : vector<1x16xf32> to vector<16xf32>
      %swap3A_231 = vector.shape_cast %add3A_226 : vector<16xf32> to vector<1x16xf32>
      tpu.vector_store %arg8[%swap3A_227, %swap3A_228], %swap3A_231 {strides = array<i32>} : memref<128x64xf32, #tpu.memory_space<vmem>>, vector<1x16xf32>,
      %add3A_232 = arith.addf %scan3A_216#2, %scan3A_216#6 : vector<16xf32>
      %add3A_233 = arith.addf %add3A_232, %get3A_10 : vector<16xf32>
      %swap3A_234 = arith.index_cast %add3A_174 : i32 to index
      %swap3A_235 = arith.constant 32 : index
      %swap3A_236 = tpu.vector_load %arg8[%swap3A_234, %swap3A_235] {strides = array<i32>} : memref<128x64xf32, #tpu.memory_space<vmem>>, vector<1x16xf32>,
      %swap3A_237 = vector.shape_cast %swap3A_236 : vector<1x16xf32> to vector<16xf32>
      %swap3A_238 = vector.shape_cast %add3A_233 : vector<16xf32> to vector<1x16xf32>
      tpu.vector_store %arg8[%swap3A_234, %swap3A_235], %swap3A_238 {strides = array<i32>} : memref<128x64xf32, #tpu.memory_space<vmem>>, vector<1x16xf32>,
      %add3A_239 = arith.addf %scan3A_216#3, %scan3A_216#7 : vector<16xf32>
      %add3A_240 = arith.addf %add3A_239, %get3A_13 : vector<16xf32>
      %swap3A_241 = arith.index_cast %add3A_174 : i32 to index
      %swap3A_242 = arith.constant 48 : index
      %swap3A_243 = tpu.vector_load %arg8[%swap3A_241, %swap3A_242] {strides = array<i32>} : memref<128x64xf32, #tpu.memory_space<vmem>>, vector<1x16xf32>,
      %swap3A_244 = vector.shape_cast %swap3A_243 : vector<1x16xf32> to vector<16xf32>
      %swap3A_245 = vector.shape_cast %add3A_240 : vector<16xf32> to vector<1x16xf32>
      tpu.vector_store %arg8[%swap3A_241, %swap3A_242], %swap3A_245 {strides = array<i32>} : memref<128x64xf32, #tpu.memory_space<vmem>>, vector<1x16xf32>,
      %mul3A_246 = arith.constant 4 : i32
      %mul3A_247 = arith.muli %scan3A_102, %mul3A_246 : i32
      %add3A_248 = arith.constant 2 : i32
      %add3A_249 = arith.addi %mul3A_247, %add3A_248 : i32
      %add3A_250 = arith.constant 4 : i32
      %add3A_251 = arith.addi %add3A_249, %add3A_250 : i32
      %sub3A_252 = arith.constant 1 : i32
      %sub3A_253 = arith.subi %add3A_251, %sub3A_252 : i32
      %lt3A_254 = arith.constant 128 : i32
      %lt3A_255 = arith.cmpi slt, %sub3A_253, %lt3A_254 : i32
      %convert_element_type3A_256 = arith.extui %lt3A_255 : i1 to i32
      %cond3A_257 = arith.constant 0 : i32
      %cond3A_258 = arith.cmpi ne, %convert_element_type3A_256, %cond3A_257 : i32
      scf.if %cond3A_258 {
        %dma_start3A_396 = arith.constant 0 : i32
        %dma_start3A_397 = arith.constant 1 : i32
        %dma_start3A_398 = arith.constant 0 : i32
        %dma_start3A_399 = arith.constant 0 : i32
        %dma_start3A_400 = arith.constant 0 : i32
        %dma_start3A_401 = tpu.memref_slice %arg7[%dma_start3A_397, %dma_start3A_398, %dma_start3A_399, %dma_start3A_400] : memref<4x2x100x64xf32, #tpu.memory_space<vmem>> -> memref<1x1x100x64xf32, #tpu.memory_space<vmem>>
        %dma_start3A_402 = tpu.memref_squeeze %dma_start3A_401 : memref<1x1x100x64xf32, #tpu.memory_space<vmem>> -> memref<100x64xf32, #tpu.memory_space<vmem>>
        %dma_start3A_403 = arith.constant 0 : i32
        %dma_start3A_404 = tpu.memref_slice %arg6[%sub3A_253, %dma_start3A_396, %dma_start3A_403] : memref<128x2x100xi32, #tpu.memory_space<vmem>> -> memref<1x1x100xi32, #tpu.memory_space<vmem>>
        %dma_start3A_405 = tpu.memref_squeeze %dma_start3A_404 : memref<1x1x100xi32, #tpu.memory_space<vmem>> -> memref<100xi32, #tpu.memory_space<vmem>>
        %dma_start3A_406 = arith.constant 0 : i32
        %dma_start3A_407 = arith.constant 0 : i32
        %dma_start3A_408 = tpu.memref_slice %arg3[%dma_start3A_406, %dma_start3A_407] : memref<100000x64xf32, #tpu.memory_space<hbm>> -> memref<100000x64xf32, #tpu.memory_space<hbm>>
        tpu.enqueue_indirect_dma source(%dma_start3A_408 : memref<100000x64xf32, #tpu.memory_space<hbm>>) target(%dma_start3A_402 : memref<100x64xf32, #tpu.memory_space<vmem>>) offsets(%dma_start3A_405 : memref<100xi32, #tpu.memory_space<vmem>>) semaphore(%arg11 : memref<!tpu.dma_semaphore, #tpu.memory_space<semaphore_mem>>)
        %dma_start3A_409 = arith.constant 1 : i32
        %dma_start3A_410 = arith.constant 1 : i32
        %dma_start3A_411 = arith.constant 1 : i32
        %dma_start3A_412 = arith.constant 0 : i32
        %dma_start3A_413 = arith.constant 0 : i32
        %dma_start3A_414 = tpu.memref_slice %arg7[%dma_start3A_410, %dma_start3A_411, %dma_start3A_412, %dma_start3A_413] : memref<4x2x100x64xf32, #tpu.memory_space<vmem>> -> memref<1x1x100x64xf32, #tpu.memory_space<vmem>>
        %dma_start3A_415 = tpu.memref_squeeze %dma_start3A_414 : memref<1x1x100x64xf32, #tpu.memory_space<vmem>> -> memref<100x64xf32, #tpu.memory_space<vmem>>
        %dma_start3A_416 = arith.constant 0 : i32
        %dma_start3A_417 = tpu.memref_slice %arg6[%sub3A_253, %dma_start3A_409, %dma_start3A_416] : memref<128x2x100xi32, #tpu.memory_space<vmem>> -> memref<1x1x100xi32, #tpu.memory_space<vmem>>
        %dma_start3A_418 = tpu.memref_squeeze %dma_start3A_417 : memref<1x1x100xi32, #tpu.memory_space<vmem>> -> memref<100xi32, #tpu.memory_space<vmem>>
        %dma_start3A_419 = arith.constant 0 : i32
        %dma_start3A_420 = arith.constant 0 : i32
        %dma_start3A_421 = tpu.memref_slice %arg3[%dma_start3A_419, %dma_start3A_420] : memref<100000x64xf32, #tpu.memory_space<hbm>> -> memref<100000x64xf32, #tpu.memory_space<hbm>>
        tpu.enqueue_indirect_dma source(%dma_start3A_421 : memref<100000x64xf32, #tpu.memory_space<hbm>>) target(%dma_start3A_415 : memref<100x64xf32, #tpu.memory_space<vmem>>) offsets(%dma_start3A_418 : memref<100xi32, #tpu.memory_space<vmem>>) semaphore(%arg11 : memref<!tpu.dma_semaphore, #tpu.memory_space<semaphore_mem>>)
      } else {
      }
      %dma_wait3A_259 = arith.constant 0 : i32
      %dma_wait3A_260 = arith.constant 2 : i32
      %dma_wait3A_261 = arith.constant 0 : i32
      %dma_wait3A_262 = arith.constant 0 : i32
      %dma_wait3A_263 = arith.constant 0 : i32
      %dma_wait3A_264 = tpu.memref_slice %arg7[%dma_wait3A_260, %dma_wait3A_261, %dma_wait3A_262, %dma_wait3A_263] : memref<4x2x100x64xf32, #tpu.memory_space<vmem>> -> memref<1x1x100x64xf32, #tpu.memory_space<vmem>>
      %dma_wait3A_265 = tpu.memref_squeeze %dma_wait3A_264 : memref<1x1x100x64xf32, #tpu.memory_space<vmem>> -> memref<100x64xf32, #tpu.memory_space<vmem>>
      %dma_wait3A_266 = arith.constant 0 : i32
      %dma_wait3A_267 = tpu.memref_slice %arg6[%add3A_249, %dma_wait3A_259, %dma_wait3A_266] : memref<128x2x100xi32, #tpu.memory_space<vmem>> -> memref<1x1x100xi32, #tpu.memory_space<vmem>>
      %dma_wait3A_268 = tpu.memref_squeeze %dma_wait3A_267 : memref<1x1x100xi32, #tpu.memory_space<vmem>> -> memref<100xi32, #tpu.memory_space<vmem>>
      %dma_wait3A_269 = arith.constant 0 : i32
      %dma_wait3A_270 = arith.constant 0 : i32
      %dma_wait3A_271 = tpu.memref_slice %arg3[%dma_wait3A_269, %dma_wait3A_270] : memref<100000x64xf32, #tpu.memory_space<hbm>> -> memref<100000x64xf32, #tpu.memory_space<hbm>>
      tpu.wait_indirect_dma semaphore(%arg12 : memref<!tpu.dma_semaphore, #tpu.memory_space<semaphore_mem>>) src(%dma_wait3A_271 : memref<100000x64xf32, #tpu.memory_space<hbm>>) dst(%dma_wait3A_265 : memref<100x64xf32, #tpu.memory_space<vmem>>)
      %dma_wait3A_272 = arith.constant 1 : i32
      %dma_wait3A_273 = arith.constant 2 : i32
      %dma_wait3A_274 = arith.constant 1 : i32
      %dma_wait3A_275 = arith.constant 0 : i32
      %dma_wait3A_276 = arith.constant 0 : i32
      %dma_wait3A_277 = tpu.memref_slice %arg7[%dma_wait3A_273, %dma_wait3A_274, %dma_wait3A_275, %dma_wait3A_276] : memref<4x2x100x64xf32, #tpu.memory_space<vmem>> -> memref<1x1x100x64xf32, #tpu.memory_space<vmem>>
      %dma_wait3A_278 = tpu.memref_squeeze %dma_wait3A_277 : memref<1x1x100x64xf32, #tpu.memory_space<vmem>> -> memref<100x64xf32, #tpu.memory_space<vmem>>
      %dma_wait3A_279 = arith.constant 0 : i32
      %dma_wait3A_280 = tpu.memref_slice %arg6[%add3A_249, %dma_wait3A_272, %dma_wait3A_279] : memref<128x2x100xi32, #tpu.memory_space<vmem>> -> memref<1x1x100xi32, #tpu.memory_space<vmem>>
      %dma_wait3A_281 = tpu.memref_squeeze %dma_wait3A_280 : memref<1x1x100xi32, #tpu.memory_space<vmem>> -> memref<100xi32, #tpu.memory_space<vmem>>
      %dma_wait3A_282 = arith.constant 0 : i32
      %dma_wait3A_283 = arith.constant 0 : i32
      %dma_wait3A_284 = tpu.memref_slice %arg3[%dma_wait3A_282, %dma_wait3A_283] : memref<100000x64xf32, #tpu.memory_space<hbm>> -> memref<100000x64xf32, #tpu.memory_space<hbm>>
      tpu.wait_indirect_dma semaphore(%arg12 : memref<!tpu.dma_semaphore, #tpu.memory_space<semaphore_mem>>) src(%dma_wait3A_284 : memref<100000x64xf32, #tpu.memory_space<hbm>>) dst(%dma_wait3A_278 : memref<100x64xf32, #tpu.memory_space<vmem>>)
      %broadcast_in_dim3A_285 = arith.constant 0.000000e+00 : f32
      %broadcast_in_dim3A_286 = vector.broadcast %broadcast_in_dim3A_285 : f32 to vector<16xf32>
      %scan3A_287 = arith.constant 0 : i32
      %scan3A_288 = arith.constant 100 : i32
      %scan3A_289 = arith.addi %scan3A_287, %scan3A_288 : i32
      %scan3A_290 = arith.constant 1 : i32
      %scan3A_291:8 = scf.for %scan3A_396 = %scan3A_287 to %scan3A_289 step %scan3A_290 iter_args(%scan3A_397 = %broadcast_in_dim3A_286, %scan3A_398 = %broadcast_in_dim3A_286, %scan3A_399 = %broadcast_in_dim3A_286, %scan3A_400 = %broadcast_in_dim3A_286, %scan3A_401 = %broadcast_in_dim3A_286, %scan3A_402 = %broadcast_in_dim3A_286, %scan3A_403 = %broadcast_in_dim3A_286, %scan3A_404 = %broadcast_in_dim3A_286) -> (vector<16xf32>, vector<16xf32>, vector<16xf32>, vector<16xf32>, vector<16xf32>, vector<16xf32>, vector<16xf32>, vector<16xf32>)  : i32 {
        %get3A_405 = arith.constant 2 : i32
        %get3A_406 = arith.constant 0 : i32
        %get3A_407 = arith.index_cast %get3A_405 : i32 to index
        %get3A_408 = arith.index_cast %get3A_406 : i32 to index
        %get3A_409 = arith.index_cast %scan3A_396 : i32 to index
        %get3A_410 = arith.constant 0 : index
        %get3A_411 = tpu.vector_load %arg7[%get3A_407, %get3A_408, %get3A_409, %get3A_410] {strides = array<i32>} : memref<4x2x100x64xf32, #tpu.memory_space<vmem>>, vector<1x1x1x16xf32>,
        %get3A_412 = vector.shape_cast %get3A_411 : vector<1x1x1x16xf32> to vector<16xf32>
        %add3A_413 = arith.addf %scan3A_397, %get3A_412 : vector<16xf32>
        %get3A_414 = arith.constant 2 : i32
        %get3A_415 = arith.constant 0 : i32
        %get3A_416 = arith.index_cast %get3A_414 : i32 to index
        %get3A_417 = arith.index_cast %get3A_415 : i32 to index
        %get3A_418 = arith.index_cast %scan3A_396 : i32 to index
        %get3A_419 = arith.constant 16 : index
        %get3A_420 = tpu.vector_load %arg7[%get3A_416, %get3A_417, %get3A_418, %get3A_419] {strides = array<i32>} : memref<4x2x100x64xf32, #tpu.memory_space<vmem>>, vector<1x1x1x16xf32>,
        %get3A_421 = vector.shape_cast %get3A_420 : vector<1x1x1x16xf32> to vector<16xf32>
        %add3A_422 = arith.addf %scan3A_398, %get3A_421 : vector<16xf32>
        %get3A_423 = arith.constant 2 : i32
        %get3A_424 = arith.constant 0 : i32
        %get3A_425 = arith.index_cast %get3A_423 : i32 to index
        %get3A_426 = arith.index_cast %get3A_424 : i32 to index
        %get3A_427 = arith.index_cast %scan3A_396 : i32 to index
        %get3A_428 = arith.constant 32 : index
        %get3A_429 = tpu.vector_load %arg7[%get3A_425, %get3A_426, %get3A_427, %get3A_428] {strides = array<i32>} : memref<4x2x100x64xf32, #tpu.memory_space<vmem>>, vector<1x1x1x16xf32>,
        %get3A_430 = vector.shape_cast %get3A_429 : vector<1x1x1x16xf32> to vector<16xf32>
        %add3A_431 = arith.addf %scan3A_399, %get3A_430 : vector<16xf32>
        %get3A_432 = arith.constant 2 : i32
        %get3A_433 = arith.constant 0 : i32
        %get3A_434 = arith.index_cast %get3A_432 : i32 to index
        %get3A_435 = arith.index_cast %get3A_433 : i32 to index
        %get3A_436 = arith.index_cast %scan3A_396 : i32 to index
        %get3A_437 = arith.constant 48 : index
        %get3A_438 = tpu.vector_load %arg7[%get3A_434, %get3A_435, %get3A_436, %get3A_437] {strides = array<i32>} : memref<4x2x100x64xf32, #tpu.memory_space<vmem>>, vector<1x1x1x16xf32>,
        %get3A_439 = vector.shape_cast %get3A_438 : vector<1x1x1x16xf32> to vector<16xf32>
        %add3A_440 = arith.addf %scan3A_400, %get3A_439 : vector<16xf32>
        %get3A_441 = arith.constant 2 : i32
        %get3A_442 = arith.constant 1 : i32
        %get3A_443 = arith.index_cast %get3A_441 : i32 to index
        %get3A_444 = arith.index_cast %get3A_442 : i32 to index
        %get3A_445 = arith.index_cast %scan3A_396 : i32 to index
        %get3A_446 = arith.constant 0 : index
        %get3A_447 = tpu.vector_load %arg7[%get3A_443, %get3A_444, %get3A_445, %get3A_446] {strides = array<i32>} : memref<4x2x100x64xf32, #tpu.memory_space<vmem>>, vector<1x1x1x16xf32>,
        %get3A_448 = vector.shape_cast %get3A_447 : vector<1x1x1x16xf32> to vector<16xf32>
        %add3A_449 = arith.addf %scan3A_401, %get3A_448 : vector<16xf32>
        %get3A_450 = arith.constant 2 : i32
        %get3A_451 = arith.constant 1 : i32
        %get3A_452 = arith.index_cast %get3A_450 : i32 to index
        %get3A_453 = arith.index_cast %get3A_451 : i32 to index
        %get3A_454 = arith.index_cast %scan3A_396 : i32 to index
        %get3A_455 = arith.constant 16 : index
        %get3A_456 = tpu.vector_load %arg7[%get3A_452, %get3A_453, %get3A_454, %get3A_455] {strides = array<i32>} : memref<4x2x100x64xf32, #tpu.memory_space<vmem>>, vector<1x1x1x16xf32>,
        %get3A_457 = vector.shape_cast %get3A_456 : vector<1x1x1x16xf32> to vector<16xf32>
        %add3A_458 = arith.addf %scan3A_402, %get3A_457 : vector<16xf32>
        %get3A_459 = arith.constant 2 : i32
        %get3A_460 = arith.constant 1 : i32
        %get3A_461 = arith.index_cast %get3A_459 : i32 to index
        %get3A_462 = arith.index_cast %get3A_460 : i32 to index
        %get3A_463 = arith.index_cast %scan3A_396 : i32 to index
        %get3A_464 = arith.constant 32 : index
        %get3A_465 = tpu.vector_load %arg7[%get3A_461, %get3A_462, %get3A_463, %get3A_464] {strides = array<i32>} : memref<4x2x100x64xf32, #tpu.memory_space<vmem>>, vector<1x1x1x16xf32>,
        %get3A_466 = vector.shape_cast %get3A_465 : vector<1x1x1x16xf32> to vector<16xf32>
        %add3A_467 = arith.addf %scan3A_403, %get3A_466 : vector<16xf32>
        %get3A_468 = arith.constant 2 : i32
        %get3A_469 = arith.constant 1 : i32
        %get3A_470 = arith.index_cast %get3A_468 : i32 to index
        %get3A_471 = arith.index_cast %get3A_469 : i32 to index
        %get3A_472 = arith.index_cast %scan3A_396 : i32 to index
        %get3A_473 = arith.constant 48 : index
        %get3A_474 = tpu.vector_load %arg7[%get3A_470, %get3A_471, %get3A_472, %get3A_473] {strides = array<i32>} : memref<4x2x100x64xf32, #tpu.memory_space<vmem>>, vector<1x1x1x16xf32>,
        %get3A_475 = vector.shape_cast %get3A_474 : vector<1x1x1x16xf32> to vector<16xf32>
        %add3A_476 = arith.addf %scan3A_404, %get3A_475 : vector<16xf32>
        scf.yield %add3A_413, %add3A_422, %add3A_431, %add3A_440, %add3A_449, %add3A_458, %add3A_467, %add3A_476 : vector<16xf32>, vector<16xf32>, vector<16xf32>, vector<16xf32>, vector<16xf32>, vector<16xf32>, vector<16xf32>, vector<16xf32>
      }
      %scan3A_292 = arith.constant 100 : i32
      %add3A_293 = arith.addf %scan3A_291#0, %scan3A_291#4 : vector<16xf32>
      %add3A_294 = arith.addf %add3A_293, %get3A_4 : vector<16xf32>
      %swap3A_295 = arith.index_cast %add3A_249 : i32 to index
      %swap3A_296 = arith.constant 0 : index
      %swap3A_297 = tpu.vector_load %arg8[%swap3A_295, %swap3A_296] {strides = array<i32>} : memref<128x64xf32, #tpu.memory_space<vmem>>, vector<1x16xf32>,
      %swap3A_298 = vector.shape_cast %swap3A_297 : vector<1x16xf32> to vector<16xf32>
      %swap3A_299 = vector.shape_cast %add3A_294 : vector<16xf32> to vector<1x16xf32>
      tpu.vector_store %arg8[%swap3A_295, %swap3A_296], %swap3A_299 {strides = array<i32>} : memref<128x64xf32, #tpu.memory_space<vmem>>, vector<1x16xf32>,
      %add3A_300 = arith.addf %scan3A_291#1, %scan3A_291#5 : vector<16xf32>
      %add3A_301 = arith.addf %add3A_300, %get3A_7 : vector<16xf32>
      %swap3A_302 = arith.index_cast %add3A_249 : i32 to index
      %swap3A_303 = arith.constant 16 : index
      %swap3A_304 = tpu.vector_load %arg8[%swap3A_302, %swap3A_303] {strides = array<i32>} : memref<128x64xf32, #tpu.memory_space<vmem>>, vector<1x16xf32>,
      %swap3A_305 = vector.shape_cast %swap3A_304 : vector<1x16xf32> to vector<16xf32>
      %swap3A_306 = vector.shape_cast %add3A_301 : vector<16xf32> to vector<1x16xf32>
      tpu.vector_store %arg8[%swap3A_302, %swap3A_303], %swap3A_306 {strides = array<i32>} : memref<128x64xf32, #tpu.memory_space<vmem>>, vector<1x16xf32>,
      %add3A_307 = arith.addf %scan3A_291#2, %scan3A_291#6 : vector<16xf32>
      %add3A_308 = arith.addf %add3A_307, %get3A_10 : vector<16xf32>
      %swap3A_309 = arith.index_cast %add3A_249 : i32 to index
      %swap3A_310 = arith.constant 32 : index
      %swap3A_311 = tpu.vector_load %arg8[%swap3A_309, %swap3A_310] {strides = array<i32>} : memref<128x64xf32, #tpu.memory_space<vmem>>, vector<1x16xf32>,
      %swap3A_312 = vector.shape_cast %swap3A_311 : vector<1x16xf32> to vector<16xf32>
      %swap3A_313 = vector.shape_cast %add3A_308 : vector<16xf32> to vector<1x16xf32>
      tpu.vector_store %arg8[%swap3A_309, %swap3A_310], %swap3A_313 {strides = array<i32>} : memref<128x64xf32, #tpu.memory_space<vmem>>, vector<1x16xf32>,
      %add3A_314 = arith.addf %scan3A_291#3, %scan3A_291#7 : vector<16xf32>
      %add3A_315 = arith.addf %add3A_314, %get3A_13 : vector<16xf32>
      %swap3A_316 = arith.index_cast %add3A_249 : i32 to index
      %swap3A_317 = arith.constant 48 : index
      %swap3A_318 = tpu.vector_load %arg8[%swap3A_316, %swap3A_317] {strides = array<i32>} : memref<128x64xf32, #tpu.memory_space<vmem>>, vector<1x16xf32>,
      %swap3A_319 = vector.shape_cast %swap3A_318 : vector<1x16xf32> to vector<16xf32>
      %swap3A_320 = vector.shape_cast %add3A_315 : vector<16xf32> to vector<1x16xf32>
      tpu.vector_store %arg8[%swap3A_316, %swap3A_317], %swap3A_320 {strides = array<i32>} : memref<128x64xf32, #tpu.memory_space<vmem>>, vector<1x16xf32>,
      %mul3A_321 = arith.constant 4 : i32
      %mul3A_322 = arith.muli %scan3A_102, %mul3A_321 : i32
      %add3A_323 = arith.constant 3 : i32
      %add3A_324 = arith.addi %mul3A_322, %add3A_323 : i32
      %add3A_325 = arith.constant 4 : i32
      %add3A_326 = arith.addi %add3A_324, %add3A_325 : i32
      %sub3A_327 = arith.constant 1 : i32
      %sub3A_328 = arith.subi %add3A_326, %sub3A_327 : i32
      %lt3A_329 = arith.constant 128 : i32
      %lt3A_330 = arith.cmpi slt, %sub3A_328, %lt3A_329 : i32
      %convert_element_type3A_331 = arith.extui %lt3A_330 : i1 to i32
      %cond3A_332 = arith.constant 0 : i32
      %cond3A_333 = arith.cmpi ne, %convert_element_type3A_331, %cond3A_332 : i32
      scf.if %cond3A_333 {
        %dma_start3A_396 = arith.constant 0 : i32
        %dma_start3A_397 = arith.constant 2 : i32
        %dma_start3A_398 = arith.constant 0 : i32
        %dma_start3A_399 = arith.constant 0 : i32
        %dma_start3A_400 = arith.constant 0 : i32
        %dma_start3A_401 = tpu.memref_slice %arg7[%dma_start3A_397, %dma_start3A_398, %dma_start3A_399, %dma_start3A_400] : memref<4x2x100x64xf32, #tpu.memory_space<vmem>> -> memref<1x1x100x64xf32, #tpu.memory_space<vmem>>
        %dma_start3A_402 = tpu.memref_squeeze %dma_start3A_401 : memref<1x1x100x64xf32, #tpu.memory_space<vmem>> -> memref<100x64xf32, #tpu.memory_space<vmem>>
        %dma_start3A_403 = arith.constant 0 : i32
        %dma_start3A_404 = tpu.memref_slice %arg6[%sub3A_328, %dma_start3A_396, %dma_start3A_403] : memref<128x2x100xi32, #tpu.memory_space<vmem>> -> memref<1x1x100xi32, #tpu.memory_space<vmem>>
        %dma_start3A_405 = tpu.memref_squeeze %dma_start3A_404 : memref<1x1x100xi32, #tpu.memory_space<vmem>> -> memref<100xi32, #tpu.memory_space<vmem>>
        %dma_start3A_406 = arith.constant 0 : i32
        %dma_start3A_407 = arith.constant 0 : i32
        %dma_start3A_408 = tpu.memref_slice %arg3[%dma_start3A_406, %dma_start3A_407] : memref<100000x64xf32, #tpu.memory_space<hbm>> -> memref<100000x64xf32, #tpu.memory_space<hbm>>
        tpu.enqueue_indirect_dma source(%dma_start3A_408 : memref<100000x64xf32, #tpu.memory_space<hbm>>) target(%dma_start3A_402 : memref<100x64xf32, #tpu.memory_space<vmem>>) offsets(%dma_start3A_405 : memref<100xi32, #tpu.memory_space<vmem>>) semaphore(%arg12 : memref<!tpu.dma_semaphore, #tpu.memory_space<semaphore_mem>>)
        %dma_start3A_409 = arith.constant 1 : i32
        %dma_start3A_410 = arith.constant 2 : i32
        %dma_start3A_411 = arith.constant 1 : i32
        %dma_start3A_412 = arith.constant 0 : i32
        %dma_start3A_413 = arith.constant 0 : i32
        %dma_start3A_414 = tpu.memref_slice %arg7[%dma_start3A_410, %dma_start3A_411, %dma_start3A_412, %dma_start3A_413] : memref<4x2x100x64xf32, #tpu.memory_space<vmem>> -> memref<1x1x100x64xf32, #tpu.memory_space<vmem>>
        %dma_start3A_415 = tpu.memref_squeeze %dma_start3A_414 : memref<1x1x100x64xf32, #tpu.memory_space<vmem>> -> memref<100x64xf32, #tpu.memory_space<vmem>>
        %dma_start3A_416 = arith.constant 0 : i32
        %dma_start3A_417 = tpu.memref_slice %arg6[%sub3A_328, %dma_start3A_409, %dma_start3A_416] : memref<128x2x100xi32, #tpu.memory_space<vmem>> -> memref<1x1x100xi32, #tpu.memory_space<vmem>>
        %dma_start3A_418 = tpu.memref_squeeze %dma_start3A_417 : memref<1x1x100xi32, #tpu.memory_space<vmem>> -> memref<100xi32, #tpu.memory_space<vmem>>
        %dma_start3A_419 = arith.constant 0 : i32
        %dma_start3A_420 = arith.constant 0 : i32
        %dma_start3A_421 = tpu.memref_slice %arg3[%dma_start3A_419, %dma_start3A_420] : memref<100000x64xf32, #tpu.memory_space<hbm>> -> memref<100000x64xf32, #tpu.memory_space<hbm>>
        tpu.enqueue_indirect_dma source(%dma_start3A_421 : memref<100000x64xf32, #tpu.memory_space<hbm>>) target(%dma_start3A_415 : memref<100x64xf32, #tpu.memory_space<vmem>>) offsets(%dma_start3A_418 : memref<100xi32, #tpu.memory_space<vmem>>) semaphore(%arg12 : memref<!tpu.dma_semaphore, #tpu.memory_space<semaphore_mem>>)
      } else {
      }
      %dma_wait3A_334 = arith.constant 0 : i32
      %dma_wait3A_335 = arith.constant 3 : i32
      %dma_wait3A_336 = arith.constant 0 : i32
      %dma_wait3A_337 = arith.constant 0 : i32
      %dma_wait3A_338 = arith.constant 0 : i32
      %dma_wait3A_339 = tpu.memref_slice %arg7[%dma_wait3A_335, %dma_wait3A_336, %dma_wait3A_337, %dma_wait3A_338] : memref<4x2x100x64xf32, #tpu.memory_space<vmem>> -> memref<1x1x100x64xf32, #tpu.memory_space<vmem>>
      %dma_wait3A_340 = tpu.memref_squeeze %dma_wait3A_339 : memref<1x1x100x64xf32, #tpu.memory_space<vmem>> -> memref<100x64xf32, #tpu.memory_space<vmem>>
      %dma_wait3A_341 = arith.constant 0 : i32
      %dma_wait3A_342 = tpu.memref_slice %arg6[%add3A_324, %dma_wait3A_334, %dma_wait3A_341] : memref<128x2x100xi32, #tpu.memory_space<vmem>> -> memref<1x1x100xi32, #tpu.memory_space<vmem>>
      %dma_wait3A_343 = tpu.memref_squeeze %dma_wait3A_342 : memref<1x1x100xi32, #tpu.memory_space<vmem>> -> memref<100xi32, #tpu.memory_space<vmem>>
      %dma_wait3A_344 = arith.constant 0 : i32
      %dma_wait3A_345 = arith.constant 0 : i32
      %dma_wait3A_346 = tpu.memref_slice %arg3[%dma_wait3A_344, %dma_wait3A_345] : memref<100000x64xf32, #tpu.memory_space<hbm>> -> memref<100000x64xf32, #tpu.memory_space<hbm>>
      tpu.wait_indirect_dma semaphore(%arg13 : memref<!tpu.dma_semaphore, #tpu.memory_space<semaphore_mem>>) src(%dma_wait3A_346 : memref<100000x64xf32, #tpu.memory_space<hbm>>) dst(%dma_wait3A_340 : memref<100x64xf32, #tpu.memory_space<vmem>>)
      %dma_wait3A_347 = arith.constant 1 : i32
      %dma_wait3A_348 = arith.constant 3 : i32
      %dma_wait3A_349 = arith.constant 1 : i32
      %dma_wait3A_350 = arith.constant 0 : i32
      %dma_wait3A_351 = arith.constant 0 : i32
      %dma_wait3A_352 = tpu.memref_slice %arg7[%dma_wait3A_348, %dma_wait3A_349, %dma_wait3A_350, %dma_wait3A_351] : memref<4x2x100x64xf32, #tpu.memory_space<vmem>> -> memref<1x1x100x64xf32, #tpu.memory_space<vmem>>
      %dma_wait3A_353 = tpu.memref_squeeze %dma_wait3A_352 : memref<1x1x100x64xf32, #tpu.memory_space<vmem>> -> memref<100x64xf32, #tpu.memory_space<vmem>>
      %dma_wait3A_354 = arith.constant 0 : i32
      %dma_wait3A_355 = tpu.memref_slice %arg6[%add3A_324, %dma_wait3A_347, %dma_wait3A_354] : memref<128x2x100xi32, #tpu.memory_space<vmem>> -> memref<1x1x100xi32, #tpu.memory_space<vmem>>
      %dma_wait3A_356 = tpu.memref_squeeze %dma_wait3A_355 : memref<1x1x100xi32, #tpu.memory_space<vmem>> -> memref<100xi32, #tpu.memory_space<vmem>>
      %dma_wait3A_357 = arith.constant 0 : i32
      %dma_wait3A_358 = arith.constant 0 : i32
      %dma_wait3A_359 = tpu.memref_slice %arg3[%dma_wait3A_357, %dma_wait3A_358] : memref<100000x64xf32, #tpu.memory_space<hbm>> -> memref<100000x64xf32, #tpu.memory_space<hbm>>
      tpu.wait_indirect_dma semaphore(%arg13 : memref<!tpu.dma_semaphore, #tpu.memory_space<semaphore_mem>>) src(%dma_wait3A_359 : memref<100000x64xf32, #tpu.memory_space<hbm>>) dst(%dma_wait3A_353 : memref<100x64xf32, #tpu.memory_space<vmem>>)
      %broadcast_in_dim3A_360 = arith.constant 0.000000e+00 : f32
      %broadcast_in_dim3A_361 = vector.broadcast %broadcast_in_dim3A_360 : f32 to vector<16xf32>
      %scan3A_362 = arith.constant 0 : i32
      %scan3A_363 = arith.constant 100 : i32
      %scan3A_364 = arith.addi %scan3A_362, %scan3A_363 : i32
      %scan3A_365 = arith.constant 1 : i32
      %scan3A_366:8 = scf.for %scan3A_396 = %scan3A_362 to %scan3A_364 step %scan3A_365 iter_args(%scan3A_397 = %broadcast_in_dim3A_361, %scan3A_398 = %broadcast_in_dim3A_361, %scan3A_399 = %broadcast_in_dim3A_361, %scan3A_400 = %broadcast_in_dim3A_361, %scan3A_401 = %broadcast_in_dim3A_361, %scan3A_402 = %broadcast_in_dim3A_361, %scan3A_403 = %broadcast_in_dim3A_361, %scan3A_404 = %broadcast_in_dim3A_361) -> (vector<16xf32>, vector<16xf32>, vector<16xf32>, vector<16xf32>, vector<16xf32>, vector<16xf32>, vector<16xf32>, vector<16xf32>)  : i32 {
        %get3A_405 = arith.constant 3 : i32
        %get3A_406 = arith.constant 0 : i32
        %get3A_407 = arith.index_cast %get3A_405 : i32 to index
        %get3A_408 = arith.index_cast %get3A_406 : i32 to index
        %get3A_409 = arith.index_cast %scan3A_396 : i32 to index
        %get3A_410 = arith.constant 0 : index
        %get3A_411 = tpu.vector_load %arg7[%get3A_407, %get3A_408, %get3A_409, %get3A_410] {strides = array<i32>} : memref<4x2x100x64xf32, #tpu.memory_space<vmem>>, vector<1x1x1x16xf32>,
        %get3A_412 = vector.shape_cast %get3A_411 : vector<1x1x1x16xf32> to vector<16xf32>
        %add3A_413 = arith.addf %scan3A_397, %get3A_412 : vector<16xf32>
        %get3A_414 = arith.constant 3 : i32
        %get3A_415 = arith.constant 0 : i32
        %get3A_416 = arith.index_cast %get3A_414 : i32 to index
        %get3A_417 = arith.index_cast %get3A_415 : i32 to index
        %get3A_418 = arith.index_cast %scan3A_396 : i32 to index
        %get3A_419 = arith.constant 16 : index
        %get3A_420 = tpu.vector_load %arg7[%get3A_416, %get3A_417, %get3A_418, %get3A_419] {strides = array<i32>} : memref<4x2x100x64xf32, #tpu.memory_space<vmem>>, vector<1x1x1x16xf32>,
        %get3A_421 = vector.shape_cast %get3A_420 : vector<1x1x1x16xf32> to vector<16xf32>
        %add3A_422 = arith.addf %scan3A_398, %get3A_421 : vector<16xf32>
        %get3A_423 = arith.constant 3 : i32
        %get3A_424 = arith.constant 0 : i32
        %get3A_425 = arith.index_cast %get3A_423 : i32 to index
        %get3A_426 = arith.index_cast %get3A_424 : i32 to index
        %get3A_427 = arith.index_cast %scan3A_396 : i32 to index
        %get3A_428 = arith.constant 32 : index
        %get3A_429 = tpu.vector_load %arg7[%get3A_425, %get3A_426, %get3A_427, %get3A_428] {strides = array<i32>} : memref<4x2x100x64xf32, #tpu.memory_space<vmem>>, vector<1x1x1x16xf32>,
        %get3A_430 = vector.shape_cast %get3A_429 : vector<1x1x1x16xf32> to vector<16xf32>
        %add3A_431 = arith.addf %scan3A_399, %get3A_430 : vector<16xf32>
        %get3A_432 = arith.constant 3 : i32
        %get3A_433 = arith.constant 0 : i32
        %get3A_434 = arith.index_cast %get3A_432 : i32 to index
        %get3A_435 = arith.index_cast %get3A_433 : i32 to index
        %get3A_436 = arith.index_cast %scan3A_396 : i32 to index
        %get3A_437 = arith.constant 48 : index
        %get3A_438 = tpu.vector_load %arg7[%get3A_434, %get3A_435, %get3A_436, %get3A_437] {strides = array<i32>} : memref<4x2x100x64xf32, #tpu.memory_space<vmem>>, vector<1x1x1x16xf32>,
        %get3A_439 = vector.shape_cast %get3A_438 : vector<1x1x1x16xf32> to vector<16xf32>
        %add3A_440 = arith.addf %scan3A_400, %get3A_439 : vector<16xf32>
        %get3A_441 = arith.constant 3 : i32
        %get3A_442 = arith.constant 1 : i32
        %get3A_443 = arith.index_cast %get3A_441 : i32 to index
        %get3A_444 = arith.index_cast %get3A_442 : i32 to index
        %get3A_445 = arith.index_cast %scan3A_396 : i32 to index
        %get3A_446 = arith.constant 0 : index
        %get3A_447 = tpu.vector_load %arg7[%get3A_443, %get3A_444, %get3A_445, %get3A_446] {strides = array<i32>} : memref<4x2x100x64xf32, #tpu.memory_space<vmem>>, vector<1x1x1x16xf32>,
        %get3A_448 = vector.shape_cast %get3A_447 : vector<1x1x1x16xf32> to vector<16xf32>
        %add3A_449 = arith.addf %scan3A_401, %get3A_448 : vector<16xf32>
        %get3A_450 = arith.constant 3 : i32
        %get3A_451 = arith.constant 1 : i32
        %get3A_452 = arith.index_cast %get3A_450 : i32 to index
        %get3A_453 = arith.index_cast %get3A_451 : i32 to index
        %get3A_454 = arith.index_cast %scan3A_396 : i32 to index
        %get3A_455 = arith.constant 16 : index
        %get3A_456 = tpu.vector_load %arg7[%get3A_452, %get3A_453, %get3A_454, %get3A_455] {strides = array<i32>} : memref<4x2x100x64xf32, #tpu.memory_space<vmem>>, vector<1x1x1x16xf32>,
        %get3A_457 = vector.shape_cast %get3A_456 : vector<1x1x1x16xf32> to vector<16xf32>
        %add3A_458 = arith.addf %scan3A_402, %get3A_457 : vector<16xf32>
        %get3A_459 = arith.constant 3 : i32
        %get3A_460 = arith.constant 1 : i32
        %get3A_461 = arith.index_cast %get3A_459 : i32 to index
        %get3A_462 = arith.index_cast %get3A_460 : i32 to index
        %get3A_463 = arith.index_cast %scan3A_396 : i32 to index
        %get3A_464 = arith.constant 32 : index
        %get3A_465 = tpu.vector_load %arg7[%get3A_461, %get3A_462, %get3A_463, %get3A_464] {strides = array<i32>} : memref<4x2x100x64xf32, #tpu.memory_space<vmem>>, vector<1x1x1x16xf32>,
        %get3A_466 = vector.shape_cast %get3A_465 : vector<1x1x1x16xf32> to vector<16xf32>
        %add3A_467 = arith.addf %scan3A_403, %get3A_466 : vector<16xf32>
        %get3A_468 = arith.constant 3 : i32
        %get3A_469 = arith.constant 1 : i32
        %get3A_470 = arith.index_cast %get3A_468 : i32 to index
        %get3A_471 = arith.index_cast %get3A_469 : i32 to index
        %get3A_472 = arith.index_cast %scan3A_396 : i32 to index
        %get3A_473 = arith.constant 48 : index
        %get3A_474 = tpu.vector_load %arg7[%get3A_470, %get3A_471, %get3A_472, %get3A_473] {strides = array<i32>} : memref<4x2x100x64xf32, #tpu.memory_space<vmem>>, vector<1x1x1x16xf32>,
        %get3A_475 = vector.shape_cast %get3A_474 : vector<1x1x1x16xf32> to vector<16xf32>
        %add3A_476 = arith.addf %scan3A_404, %get3A_475 : vector<16xf32>
        scf.yield %add3A_413, %add3A_422, %add3A_431, %add3A_440, %add3A_449, %add3A_458, %add3A_467, %add3A_476 : vector<16xf32>, vector<16xf32>, vector<16xf32>, vector<16xf32>, vector<16xf32>, vector<16xf32>, vector<16xf32>, vector<16xf32>
      }
      %scan3A_367 = arith.constant 100 : i32
      %add3A_368 = arith.addf %scan3A_366#0, %scan3A_366#4 : vector<16xf32>
      %add3A_369 = arith.addf %add3A_368, %get3A_4 : vector<16xf32>
      %swap3A_370 = arith.index_cast %add3A_324 : i32 to index
      %swap3A_371 = arith.constant 0 : index
      %swap3A_372 = tpu.vector_load %arg8[%swap3A_370, %swap3A_371] {strides = array<i32>} : memref<128x64xf32, #tpu.memory_space<vmem>>, vector<1x16xf32>,
      %swap3A_373 = vector.shape_cast %swap3A_372 : vector<1x16xf32> to vector<16xf32>
      %swap3A_374 = vector.shape_cast %add3A_369 : vector<16xf32> to vector<1x16xf32>
      tpu.vector_store %arg8[%swap3A_370, %swap3A_371], %swap3A_374 {strides = array<i32>} : memref<128x64xf32, #tpu.memory_space<vmem>>, vector<1x16xf32>,
      %add3A_375 = arith.addf %scan3A_366#1, %scan3A_366#5 : vector<16xf32>
      %add3A_376 = arith.addf %add3A_375, %get3A_7 : vector<16xf32>
      %swap3A_377 = arith.index_cast %add3A_324 : i32 to index
      %swap3A_378 = arith.constant 16 : index
      %swap3A_379 = tpu.vector_load %arg8[%swap3A_377, %swap3A_378] {strides = array<i32>} : memref<128x64xf32, #tpu.memory_space<vmem>>, vector<1x16xf32>,
      %swap3A_380 = vector.shape_cast %swap3A_379 : vector<1x16xf32> to vector<16xf32>
      %swap3A_381 = vector.shape_cast %add3A_376 : vector<16xf32> to vector<1x16xf32>
      tpu.vector_store %arg8[%swap3A_377, %swap3A_378], %swap3A_381 {strides = array<i32>} : memref<128x64xf32, #tpu.memory_space<vmem>>, vector<1x16xf32>,
      %add3A_382 = arith.addf %scan3A_366#2, %scan3A_366#6 : vector<16xf32>
      %add3A_383 = arith.addf %add3A_382, %get3A_10 : vector<16xf32>
      %swap3A_384 = arith.index_cast %add3A_324 : i32 to index
      %swap3A_385 = arith.constant 32 : index
      %swap3A_386 = tpu.vector_load %arg8[%swap3A_384, %swap3A_385] {strides = array<i32>} : memref<128x64xf32, #tpu.memory_space<vmem>>, vector<1x16xf32>,
      %swap3A_387 = vector.shape_cast %swap3A_386 : vector<1x16xf32> to vector<16xf32>
      %swap3A_388 = vector.shape_cast %add3A_383 : vector<16xf32> to vector<1x16xf32>
      tpu.vector_store %arg8[%swap3A_384, %swap3A_385], %swap3A_388 {strides = array<i32>} : memref<128x64xf32, #tpu.memory_space<vmem>>, vector<1x16xf32>,
      %add3A_389 = arith.addf %scan3A_366#3, %scan3A_366#7 : vector<16xf32>
      %add3A_390 = arith.addf %add3A_389, %get3A_13 : vector<16xf32>
      %swap3A_391 = arith.index_cast %add3A_324 : i32 to index
      %swap3A_392 = arith.constant 48 : index
      %swap3A_393 = tpu.vector_load %arg8[%swap3A_391, %swap3A_392] {strides = array<i32>} : memref<128x64xf32, #tpu.memory_space<vmem>>, vector<1x16xf32>,
      %swap3A_394 = vector.shape_cast %swap3A_393 : vector<1x16xf32> to vector<16xf32>
      %swap3A_395 = vector.shape_cast %add3A_390 : vector<16xf32> to vector<1x16xf32>
      tpu.vector_store %arg8[%swap3A_391, %swap3A_392], %swap3A_395 {strides = array<i32>} : memref<128x64xf32, #tpu.memory_space<vmem>>, vector<1x16xf32>,
    }
    %scan3A_101 = arith.constant 32 : i32
    "tpu.region"() ({
      %run_scoped3A = tpu.sem_alloc : memref<!tpu.dma_semaphore, #tpu.memory_space<semaphore_mem>>
      %dma_start3A_102 = arith.constant 0 : i32
      %dma_start3A_103 = tpu.memref_slice %arg5[%mul3A_2, %dma_start3A_102] : memref<4096x64xf32, #tpu.memory_space<hbm>> -> memref<128x64xf32, #tpu.memory_space<hbm>>
      %dma_start3A_104 = arith.constant 0 : i32
      %dma_start3A_105 = tpu.memref_slice %arg5[%mul3A_2, %dma_start3A_104] : memref<4096x64xf32, #tpu.memory_space<hbm>> -> memref<128x64xf32, #tpu.memory_space<hbm>>
      tpu.enqueue_dma source(%arg8 : memref<128x64xf32, #tpu.memory_space<vmem>>) target(%dma_start3A_105 : memref<128x64xf32, #tpu.memory_space<hbm>>) target_semaphore(%run_scoped3A : memref<!tpu.dma_semaphore, #tpu.memory_space<semaphore_mem>>)
      %dma_wait3A = arith.constant 0 : i32
      %dma_wait3A_106 = tpu.memref_slice %arg5[%mul3A_2, %dma_wait3A] : memref<4096x64xf32, #tpu.memory_space<hbm>> -> memref<128x64xf32, #tpu.memory_space<hbm>>
      %dma_wait3A_107 = arith.constant 0 : i32
      %dma_wait3A_108 = tpu.memref_slice %arg5[%mul3A_2, %dma_wait3A_107] : memref<4096x64xf32, #tpu.memory_space<hbm>> -> memref<128x64xf32, #tpu.memory_space<hbm>>
      tpu.wait_dma2 semaphore(%run_scoped3A : memref<!tpu.dma_semaphore, #tpu.memory_space<semaphore_mem>>) src(%arg8 : memref<128x64xf32, #tpu.memory_space<vmem>>) dst(%dma_wait3A_108 : memref<128x64xf32, #tpu.memory_space<hbm>>)
      tpu.yield
    }) : () -> ()
    return
  }
}

</mosaic_0001>

<sc_bundles>
// kernel: kernel.3.cloned.1.call-start
scs
__scs_entry_jumppad:
0x0: {  	(pc) =	sbr.rel $0x88, $3  }
0x1: {  	(tag) =	ssettag $0x0;
	lr =	simm.s32 $0x1  }
0x2: {  	[smem:$0x3F9E] =	sst lr;
	_ =	strace $0xD0000000  }
0x3: {  	_ = 	snop  }
0x4: {  	_ = 	snop  }
0x5: {  	_ = 	snop  }
0x6: {  	_ = 	snop  }
0x7: {  	_ = 	snop  }
__scs_overlays_trampoline_lowered:
0x8: {  	[smem:$0x3FAD] =	sst s0  }
0x9: {  	[smem:$0x3FAE] =	sst s1  }
0xa: {  	[smem:$0x3FAF] =	sst s2  }
0xb: {  	[smem:$0x3FB0] =	sst s3  }
0xc: {  	[smem:$0x3FB1] =	sst s4  }
0xd: {  	[smem:$0x3FB2] =	sst s5  }
0xe: {  	[smem:$0x3FB3] =	sst s6  }
0xf: {  	[smem:$0x3FB4] =	sst s7  }
0x10: {  	[smem:$0x3FB5] =	sst s8  }
0x11: {  	[smem:$0x3FB6] =	sst s9;
	s0 =	simm.s32 @!p0 $0x0  }
0x12: {  	s1 =	sld [smem:$0x3F9C];
	s0 =	simm.s32 @p0 $0x1  }
0x13: {  	[smem:$0x3FB7] =	sst s0;
	s0 =	simm.s32 @!p1 $0x0  }
0x14: {  	s2 =	sld [smem:$0x3F9B];
	s0 =	simm.s32 @p1 $0x1  }
0x15: {  	[smem:$0x3FB8] =	sst s0;
	s0 =	simm.s32 @!p2 $0x0  }
0x16: {  	s3 =	sld [smem:$0x3FDB];
	s0 =	simm.s32 @p2 $0x1  }
0x17: {  	s4 =	simm.s32 $0x1BF5;
	[smem:$0x3FBA] =	sst s0  }
0x18: {  	s0 =	sld [smem:$0x3F9D];
	_ =	swait.ge [sflag:s4], $0x0  }
0x19: {  	s7 =	sld [smem:$0x3F9E]  }
0x1a: {  	s8 =	sadd.s32 $0xFFFFE003, lr  }
0x1b: {  	s9 =	sadd.s32 $0xFFFFFEF7, lr;
	s5 =	simm.s32 $0xFFFFFFFF;
	p2 =	slt.u32 s8, $0xFFFFF086  }
0x1c: {  	p1 =	slt.u32 s9, $0xF7A;
	s5 =	simm.s32 @!p2 $0x0  }
0x1d: {  	s5 =	simm.s32 @p1 $0x1;
	p0 =	seq.s32 s7, s2  }
0x1e: {  	s7 =	smul.u32 @!p0 $0xF7A, s2;
	p2 =	seq.s32 @!p0 s5, $0x0  }
0x1f: {  	s9 =	smul.u32 $0xF7A, s1;
	s8 =	simm.s32 @!p0 $0x1BF5;
	p2 =	por !p2, p0  }
0x20: {  	[sflag:s8] =	ssyncset.s32 @!p0 $0xFFFFF086;
	s6 =	sadd.s32 @!p0 s3, s7;
	s7 =	simm.s32 @!p0 $0x108  }
0x21: {  	s3 =	sadd.s32 s3, s9;
	s6 =	sadd.s32 @!p0 $0x88, s6;
	s7 =	simm.s32 @p2 $0x1082  }
0x22: {  	[simem:s7], [sflag:s8] =	dma.local @!p0 [hbm:s6], $0xF7A  }
0x23: {  	s9 =	sor.u32 $0xD0000000, s2;
	s6 =	simm.s32 $0x108;
	_ =	swait.ge @!p0 [sflag:s8], $0x0  }
0x24: {  	s3 =	sadd.s32 $0x88, s3;
	s6 =	simm.s32 @!p1 $0x1082;
	[sflag:s4] =	ssyncset.s32 $0xFFFFF086  }
0x25: {  	[simem:s6], [sflag:s4] =	dma.local [hbm:s3], $0xF7A  }
0x26: {  	[smem:$0x3F9E] =	sst s1;
	(tag) =	ssettag s2;
	_ =	strace s9  }
0x27: {  	s1 =	sld [smem:$0x3FAE]  }
0x28: {  	s2 =	sld [smem:$0x3FAF]  }
0x29: {  	s4 =	sld [smem:$0x3FB1]  }
0x2a: {  	p0 =	seq.s32 s5, $0x0;
	s5 =	sld [smem:$0x3FB2]  }
0x2b: {  	s6 =	sld [smem:$0x3FB3]  }
0x2c: {  	s7 =	sld [smem:$0x3FB4]  }
0x2d: {  	s3 =	simm.s32 $0x108;
	s8 =	sld [smem:$0x3FB5]  }
0x2e: {  	s3 =	simm.s32 @!p0 $0x1082;
	s9 =	sld [smem:$0x3FB6]  }
0x2f: {  	lr =	sadd.s32 s0, s3;
	s0 =	sld [smem:$0x3FAD]  }
0x30: {  	s3 =	sld [smem:$0x3FB0]  }
0x31: {  	[smem:$0x3FB9] =	sst s10  }
0x32: {  	s10 =	sld [smem:$0x3FB7];
	_ =	sdelay $0x3  }
0x33: {  	p0 =	seq.s32 s10, $0x1;
	s10 =	sld [smem:$0x3FB9];
	_ =	sdelay $0x3  }
0x34: {  	[smem:$0x3FB9] =	sst s10  }
0x35: {  	s10 =	sld [smem:$0x3FB8];
	_ =	sdelay $0x3  }
0x36: {  	p1 =	seq.s32 s10, $0x1;
	s10 =	sld [smem:$0x3FB9];
	_ =	sdelay $0x3  }
0x37: {  	[smem:$0x3FB9] =	sst s10  }
0x38: {  	s10 =	sld [smem:$0x3FBA]  }
0x39: {  	_ = 	snop;
	(pc) =	sbr.ind lr, $3  }
0x3a: {  	_ = 	snop  }
0x3b: {  	_ = 	snop  }
0x3c: {  	p2 =	seq.s32 s10, $0x1;
	s10 =	sld [smem:$0x3FB9]  }
0x3d: {  	_ =	shalt  }
0x3e: {  	_ =	shalt  }
0x3f: {  	_ =	shalt  }
0x40: {  	_ =	shalt  }
0x41: {  	_ =	shalt  }
0x42: {  	_ =	shalt  }
0x43: {  	_ =	shalt  }
0x44: {  	_ =	shalt  }
0x45: {  	_ =	shalt  }
0x46: {  	_ =	shalt  }
0x47: {  	_ =	shalt  }
0x48: {  	_ =	shalt  }
0x49: {  	_ =	shalt  }
0x4a: {  	_ =	shalt  }
0x4b: {  	_ =	shalt  }
0x4c: {  	_ =	shalt  }
0x4d: {  	_ =	shalt  }
0x4e: {  	_ =	shalt  }
0x4f: {  	_ =	shalt  }
0x50: {  	_ =	shalt  }
0x51: {  	_ =	shalt  }
0x52: {  	_ =	shalt  }
0x53: {  	_ =	shalt  }
0x54: {  	_ =	shalt  }
0x55: {  	_ =	shalt  }
0x56: {  	_ =	shalt  }
0x57: {  	_ =	shalt  }
0x58: {  	_ =	shalt  }
0x59: {  	_ =	shalt  }
0x5a: {  	_ =	shalt  }
0x5b: {  	_ =	shalt  }
0x5c: {  	_ =	shalt  }
0x5d: {  	_ =	shalt  }
0x5e: {  	_ =	shalt  }
0x5f: {  	_ =	shalt  }
0x60: {  	_ =	shalt  }
0x61: {  	_ =	shalt  }
0x62: {  	_ =	shalt  }
0x63: {  	_ =	shalt  }
0x64: {  	_ =	shalt  }
0x65: {  	_ =	shalt  }
0x66: {  	_ =	shalt  }
0x67: {  	_ =	shalt  }
0x68: {  	_ =	shalt  }
0x69: {  	_ =	shalt  }
0x6a: {  	_ =	shalt  }
0x6b: {  	_ =	shalt  }
0x6c: {  	_ =	shalt  }
0x6d: {  	_ =	shalt  }
0x6e: {  	_ =	shalt  }
0x6f: {  	_ =	shalt  }
0x70: {  	_ =	shalt  }
0x71: {  	_ =	shalt  }
0x72: {  	_ =	shalt  }
0x73: {  	_ =	shalt  }
0x74: {  	_ =	shalt  }
0x75: {  	_ =	shalt  }
0x76: {  	_ =	shalt  }
0x77: {  	_ =	shalt  }
0x78: {  	_ =	shalt  }
0x79: {  	_ =	shalt  }
0x7a: {  	_ =	shalt  }
0x7b: {  	_ =	shalt  }
0x7c: {  	_ =	shalt  }
0x7d: {  	_ =	shalt  }
0x7e: {  	_ =	shalt  }
0x7f: {  	_ =	shalt  }
0x80: {  	_ =	shalt  }
0x81: {  	_ =	shalt  }
0x82: {  	_ =	shalt  }
0x83: {  	_ =	shalt  }
0x84: {  	_ =	shalt  }
0x85: {  	_ =	shalt  }
0x86: {  	_ =	shalt  }
0x87: {  	_ =	shalt  }
.Lfunc_end0:
.L_simem_size_0:
called_computation_lowered:
.L_overlay_start_0:
0x88: {  	s2 =	sld [smem:$0x3FD9]  }
0x89: {  	s3 =	sld [smem:$0x3FFE];
	_ =	sdelay $0x1  }
0x8a: {  	s1 =	srdreg.scid  }
0x8b: {  	s0 =	sand.u32 $0x1, s1  }
0x8c: {  	s17 =	sshll.u32 s0, $0xA;
	s2 =	sadd.s32 s3, s2  }
0x8d: {  	s2 =	sadd.s32 s2, s17  }
0x8e: {  	[smem:$0x3FC5] =	sst s2  }
0x8f: {  	_ = 	snop  }
0x90: {  	s2 =	sld [smem:$0x3FC7]  }
0x91: {  	s18 =	sld [smem:$0x3FD0];
	(tm) =	ssettm $0x1  }
0x92: {  	s4 =	sld [smem:$0x3FFB];
	_ =	sdelay $0x3  }
0x93: {  	_ =	strace s4  }
0x94: {  	s4 =	sld [smem:$0x3FFC];
	_ =	sdelay $0x3  }
0x95: {  	_ =	strace s4  }
0x96: {  	s4 =	sld [smem:$0x3FFD];
	_ =	sdelay $0x3  }
0x97: {  	_ =	strace s4  }
0x98: {  	_ =	strace $0x8FFFFFFF  }
0x99: {  	s19 =	sld [smem:$0x3FDB];
	_ =	sdelay $0x1  }
0x9a: {  	s5 =	simm.s32 $_scs_section_size  }
0x9b: {  	s6 =	simm.s32 $_size__tile_overlayer_lowered;
	s7 =	simm.s32 $_tile_overlayer_lowered  }
0x9c: {  	s22 =	simm.s32 $0x1BFF;
	s21 =	sshll.u32 s7, $0x1;
	s4 =	sadd.s32 s5, s19  }
0x9d: {  	s8 =	simm.s32 $0x0;
	s20 =	sshll.u32 s6, $0x1;
	s6 =	sadd.s32 s21, s4  }
0x9e: {  	[timem:s8], [sflag:s22] =	dma.local [hbm:s6], s20  }
0x9f: {  	_ =	swait.ge [sflag:s22], s20  }
0xa0: {  	s5 =	ssub.s32 $0x0, s20;
	[sflag:s22] =	ssyncset.done $0x0  }
0xa1: {  	[sflag:s22] =	ssyncadd.s32 s5;
	_ =	sdelay $0x1  }
0xa2: {  	s23 =	simm.s32 $0x1B8B  }
0xa3: {  	_ =	swait.ge [sflag:s23], $0x1  }
0xa4: {  	[sflag:s23] =	ssyncset.done $0x0  }
0xa5: {  	s25 =	simm.s32 $0x1B8E;
	s24 =	sld [smem:$0x3FFE];
	[sflag:s23] =	ssyncadd.s32 $0xFFFFFFFF  }
0xa6: {  	s26 =	simm.s32 $execute0_lowered;
	[smem:$0x3FD2] =	sst s25  }
0xa7: {  	s6 =	sshll.u32 s26, $0x1;
	_ =	strace $0x80000046;
	[dreg:$0x1] =	wrdreg $0xFFFFFFFF  }
0xa8: {  	s28 =	simm.s32 $_size_execute0_lowered;
	s4 =	sadd.s32 s4, s6;
	[dreg:$0x0] =	wrdreg $0x0  }
0xa9: {  	s6 =	sshll.u32 s28, $0x1;
	[dreg:$0x2] =	wrdreg s4  }
0xaa: {  	[dreg:$0x3] =	wrdreg s6  }
0xab: {  	[dreg:$0x4] =	wrdreg $0xC0  }
0xac: {  	_ =	task [dreg:s8], $0x5FFFF  }
0xad: {  	[dreg:$0x1] =	wrdreg $0xFFFFFFFF  }
0xae: {  	[dreg:$0x0] =	wrdreg $0x60  }
0xaf: {  	[dreg:$0x2] =	wrdreg s24  }
0xb0: {  	[dreg:$0x3] =	wrdreg s2  }
0xb1: {  	[dreg:$0x4] =	wrdreg s18  }
0xb2: {  	[dreg:$0x5] =	wrdreg $0x9  }
0xb3: {  	_ =	task.clear_ibuf [dreg:s8], $0x6FFFF;
	_ =	strace $0x90000046  }
0xb4: {  	s29 =	simm.s32 $0x9;
	_ =	strace $0x80000048  }
0xb5: {  	_ =	swait.ge [sflag:s29], $0x1  }
0xb6: {  	[sflag:s29] =	ssyncadd.s32 $0xFFFFFFFF  }
0xb7: {  	_ =	strace $0x90000048  }
0xb8: {  	_ =	sfence  }
0xb9: {  	s30 =	sld [smem:$0x0];
	_ =	sdelay $0x2  }
0xba: {  	s31 =	sshll.u32 s1, $0xD;
	s1 =	sshrl.u32 s1, $0x2  }
0xbb: {  	s3 =	sand.u32 $0x4000, s31;
	s1 =	sadd.s32 s1, s30  }
0xbc: {  	s0 =	sor.u32 s3, s0;
	s1 =	sshll.u32 s1, $0x11  }
0xbd: {  	s0 =	sor.u32 s1, s0  }
0xbe: {  	s0 =	sadd.s32 $0x8F2B, s0  }
0xbf: {  	[sflag:s0] =	ssyncadd.remote.s32 $0x1  }
0xc0: {  	_ =	sfence.sel $0xFFFF  }
0xc1: {  	[dreg:$0x0] =	wrdreg $0xFFFFFFFF;
	(pc) =	sbr.abs _section_cstart, $3  }
0xc2: {  	[dreg:$0x1] =	wrdreg $0xFFFFFFFF  }
0xc3: {  	_ =	task.clear_ibuf [dreg:s8], $0x2FFFF;
	_ =	strace $0x9FFFFFFF  }
0xc4: {  	(tm) =	ssettm $0x7FFFFFFF  }
0xc5: {  	_ =	shalt  }
tec
execute0_lowered:
.L_overlay_start_1:
0x0: {  	(tag) =	ssettag $0x1  }
0x1: {  	s0 =	rddreg [dreg:$0x0];
	s1 =	srdreg.scid  }
0x2: {  	s3 =	stileid.u32;
	s2 =	rddreg [dreg:$0x2]  }
0x3: {  	s8 =	simm.s32 $0x5;
	s10 =	simm.s32 $0x64;
	s13 =	simm.s32 $0x8100  }
0x4: {  	s14 =	simm.s32 $0xD0;
	s15 =	simm.s32 $0x9A00;
	s16 =	simm.s32 $0x138  }
0x5: {  	s17 =	simm.s32 $0xB300;
	s18 =	simm.s32 $0x1A0;
	s19 =	simm.s32 $0xCC00  }
0x6: {  	s20 =	simm.s32 $0x208;
	s21 =	simm.s32 $0xE500;
	s22 =	simm.s32 $0xFE00  }
0x7: {  	s23 =	simm.s32 $0x11700;
	s24 =	simm.s32 $0x1;
	s1 =	sand.u32 $0x1, s1  }
0x8: {  	s28 =	simm.s32 $0x4;
	s4 =	sshll.u32 s3, $0x8;
	s5 =	sshll.u32 s1, $0x7  }
0x9: {  	s29 =	simm.s32 $0x13000;
	s3 =	simm.s32 $0x0;
	s6 =	sor.u32 s5, s4  }
0xa: {  	s30 =	simm.s32 $0x0;
	[smem:$0x7FF] =	sst s3;
	s4 =	smul.u32 $0x1A, s6  }
0xb: {  	s1 =	ssub.s32 $0x2, s1;
	_ =	strace $0x80000047;
	s31 =	sshll.u32 s6, $0x3  }
0xc: {  	s26 =	sshrl.u32 s1, $0x1;
	s6 =	sadd.s32 s2, s31;
	s25 =	sadd.s32 s4, s0  }
0xd: {  	s4 =	sadd.s32 $0x187000, s0;
	s0 =	ssub.s32 s1, s26;
	s26 =	simm.s32 $0x3  }
0xe: {  	s5 =	sadd.s32 $0x600, s25;
	s7 =	smax.u32 s0, $0x1;
	s25 =	simm.s32 $0x2  }
.LBB2_1:
0xf: {  	[tilespmem:s3], [sflag:$0x5] =	stream.linear.gather [hbm4b:s5+s3], $0x6800, $0x38;
	[tilespmem:$0x15040] =	vst v63  }
0x10: {  	_ =	swait.ge [sflag:s8], $0x6800  }
0x11: {  	[sflag:s8] =	ssyncset.done $0x0  }
0x12: {  	[sflag:s8] =	ssyncadd.s32 $0xFFFF9800  }
0x13: {  	s1 =	simm.s32 $0x15000;
	s0 =	rddreg [dreg:$0x1]  }
0x14: {  	[tilespmem:s1], [sflag:$0x5] =	stream.linear.gather [hbm4b:s0+s3], $0x40, $0x38;
	[tilespmem:$0x15040] =	vst v63  }
0x15: {  	_ =	swait.ge [sflag:s8], $0x40  }
0x16: {  	[sflag:s8] =	ssyncset.done $0x0  }
0x17: {  	[sflag:s8] =	ssyncadd.s32 $0xFFFFFFC0  }
0x18: {  	v0 =	vld [tilespmem:$0x15000]  }
0x19: {  	v1 =	vld [tilespmem:$0x15010]  }
0x1a: {  	s11 =	simm.s32 $0x6800;
	v2 =	vld [tilespmem:$0x15020]  }
0x1b: {  	v3 =	vld [tilespmem:$0x15030];
	[tilespmem:s11], [sflag:$0x1] =	stream.indirect.gather [hbm4b:s4+s10], $0x40, s3, s10, $0xb8  }
0x1c: {  	s12 =	simm.s32 $0x68  }
0x1d: {  	[tilespmem:s13], [sflag:$0x1] =	stream.indirect.gather [hbm4b:s4+s10], $0x40, s12, s10, $0xb8;
	[tilespmem:$0x15040] =	vst v63  }
0x1e: {  	_ = 	snop  }
0x1f: {  	[tilespmem:s15], [sflag:$0x2] =	stream.indirect.gather [hbm4b:s4+s10], $0x40, s14, s10, $0xb8;
	[tilespmem:$0x15040] =	vst v63  }
0x20: {  	_ = 	snop  }
0x21: {  	[tilespmem:s17], [sflag:$0x2] =	stream.indirect.gather [hbm4b:s4+s10], $0x40, s16, s10, $0xb8;
	[tilespmem:$0x15040] =	vst v63  }
0x22: {  	_ = 	snop  }
0x23: {  	[tilespmem:s19], [sflag:$0x3] =	stream.indirect.gather [hbm4b:s4+s10], $0x40, s18, s10, $0xb8;
	[tilespmem:$0x15040] =	vst v63  }
0x24: {  	s31 =	simm.s32 $0x0  }
0x25: {  	[tilespmem:s21], [sflag:$0x3] =	stream.indirect.gather [hbm4b:s4+s10], $0x40, s20, s10, $0xb8;
	[tilespmem:$0x15040] =	vst v63  }
.LBB2_2:
0x26: {  	s1 =	sshllo.u32 s31, $0x2  }
0x27: {  	s0 =	smul.u32 $0x340, s1;
	_ =	sdelay $0x1  }
0x28: {  	s0 =	sshra.s32 s0, $0x2  }
0x29: {  	[tilespmem:s22], [sflag:$0x4] =	stream.indirect.gather [hbm4b:s4+s10], $0x40, s0, s10, $0xb8;
	[tilespmem:$0x15040] =	vst v63  }
0x2a: {  	s0 =	sadd.s32 $0x68, s0  }
0x2b: {  	[tilespmem:s23], [sflag:$0x4] =	stream.indirect.gather [hbm4b:s4+s10], $0x40, s0, s10, $0xb8;
	[tilespmem:$0x15040] =	vst v63  }
0x2c: {  	_ =	swait.ge [sflag:s24], $0x1900  }
0x2d: {  	[sflag:s24] =	ssyncset.done $0x0  }
0x2e: {  	[sflag:s24] =	ssyncadd.s32 $0xFFFFE700  }
0x2f: {  	_ =	swait.ge [sflag:s24], $0x1900  }
0x30: {  	[sflag:s24] =	ssyncset.done $0x0  }
0x31: {  	s9 =	simm.s32 $0x20;
	[sflag:s24] =	ssyncadd.s32 $0xFFFFE700  }
0x32: {  	v4 =	vld [tilespmem:s9+$0x8110]  }
0x33: {  	v5 =	vld [tilespmem:s9+$0x67E0]  }
0x34: {  	v6 =	vld [tilespmem:s9+$0x67F0]  }
0x35: {  	v9 =	vld [tilespmem:s9+$0x6800]  }
0x36: {  	v10 =	vld [tilespmem:s9+$0x6810]  }
0x37: {  	v7 =	vimm.f32 $0.0e+00;
	v8 =	vimm.f32 $0.0e+00;
	v11 =	vld [tilespmem:s9+$0x80E0]  }
0x38: {  	v14 =	vimm.f32 $0.0e+00;
	v12 =	vimm.f32 $0.0e+00;
	v15 =	vld [tilespmem:s9+$0x80F0];
	v4 =	vadd.f32 v4, v7  }
0x39: {  	s2 =	simm.s32 $0x280;
	v13 =	vimm.f32 $0.0e+00;
	s0 =	simm.s32 $0x60;
	v16 =	vld [tilespmem:s9+$0x8100];
	v5 =	vadd.f32 v5, v7;
	v6 =	vadd.f32 v6, v7  }
.LBB2_3:
0x3a: {  	p0 =	sne.s32 s2, $0x6380;
	v17 =	vld [tilespmem:s0+$0x8110];
	v7 =	vadd.f32 v9, v7  }
0x3b: {  	v18 =	vld [tilespmem:s0+$0x67E0];
	v8 =	vadd.f32 v10, v8  }
0x3c: {  	v19 =	vld [tilespmem:s0+$0x67F0];
	v14 =	vadd.f32 v11, v14  }
.Ltmp0:
0x3d: {  	v9 =	vld [tilespmem:s0+$0x6800];
	v12 =	vadd.f32 v15, v12;
	(pc) =	sbr.rel @p0 .LBB2_3-.Ltmp0, $4  }
0x3e: {  	v10 =	vld [tilespmem:s0+$0x6810];
	v13 =	vadd.f32 v16, v13  }
0x3f: {  	v11 =	vld [tilespmem:s0+$0x80E0];
	v4 =	vadd.f32 v17, v4  }
0x40: {  	v5 =	vadd.f32 v18, v5;
	v15 =	vld [tilespmem:s0+$0x80F0]  }
0x41: {  	v6 =	vadd.f32 v19, v6;
	v16 =	vld [tilespmem:s0+$0x8100];
	s0 =	sshra.s32 s2, $0x2;
	s2 =	sadd.s32 $0x100, s2  }
0x42: {  	v17 =	vld [tilespmem:s0+$0x8110]  }
0x43: {  	v18 =	vld [tilespmem:s0+$0x67E0]  }
0x44: {  	v19 =	vld [tilespmem:s0+$0x67F0]  }
0x45: {  	v20 =	vld [tilespmem:s0+$0x6800]  }
0x46: {  	v21 =	vld [tilespmem:s0+$0x80E0]  }
0x47: {  	v7 =	vadd.f32 v9, v7;
	v9 =	vld [tilespmem:s0+$0x80F0]  }
0x48: {  	v8 =	vadd.f32 v10, v8;
	v10 =	vadd.f32 v11, v14;
	v11 =	vld [tilespmem:s0+$0x8100]  }
0x49: {  	v14 =	vld [tilespmem:s0+$0x6810];
	v12 =	vadd.f32 v15, v12;
	v13 =	vadd.f32 v16, v13  }
0x4a: {  	v4 =	vadd.f32 v17, v4;
	v5 =	vadd.f32 v18, v5  }
0x4b: {  	v6 =	vadd.f32 v19, v6;
	v10 =	vadd.f32 v21, v10  }
0x4c: {  	v7 =	vadd.f32 v20, v7;
	v9 =	vadd.f32 v9, v12  }
0x4d: {  	v11 =	vadd.f32 v11, v13;
	v5 =	vadd.f32 v10, v5  }
0x4e: {  	v8 =	vadd.f32 v14, v8;
	v6 =	vadd.f32 v9, v6  }
0x4f: {  	s12 =	sshll.u32 s31, $0x8;
	v5 =	vadd.f32 v5, v0;
	v7 =	vadd.f32 v11, v7  }
0x50: {  	p0 =	seq.s32 s31, $0x1F;
	s0 =	sand.u32 $0x3FFFFF00, s12;
	v6 =	vadd.f32 v6, v1;
	v4 =	vadd.f32 v4, v8  }
0x51: {  	s2 =	smul.u32 @!p0 $0xD00, s31;
	[tilespmem:s0+$0x13000] =	vst v5;
	v5 =	vadd.f32 v7, v2  }
0x52: {  	[tilespmem:s0+$0x13010] =	vst v6;
	v4 =	vadd.f32 v4, v3  }
0x53: {  	s2 =	sshra.s32 @!p0 s2, $0x2;
	[tilespmem:s0+$0x13020] =	vst v5  }
0x54: {  	s11 =	simm.s32 @!p0 $0x64;
	s12 =	simm.s32 @!p0 $0x6800;
	s9 =	sadd.s32 @!p0 $0x340, s2;
	[tilespmem:s0+$0x13030] =	vst v4  }
0x55: {  	[tilespmem:s12], [sflag:$0x1] =	stream.indirect.gather @!p0 [hbm4b:s4+s11], $0x40, s9, s11, $0xb8;
	[tilespmem:$0x15040] =	vst v63  }
0x56: {  	s9 =	sadd.s32 @!p0 $0x3A8, s2;
	s12 =	simm.s32 @!p0 $0x8100  }
0x57: {  	[tilespmem:s12], [sflag:$0x1] =	stream.indirect.gather @!p0 [hbm4b:s4+s11], $0x40, s9, s11, $0xb8;
	[tilespmem:$0x15040] =	vst v63  }
0x58: {  	_ =	swait.ge [sflag:s25], $0x1900  }
0x59: {  	[sflag:s25] =	ssyncset.done $0x0  }
0x5a: {  	[sflag:s25] =	ssyncadd.s32 $0xFFFFE700  }
0x5b: {  	_ =	swait.ge [sflag:s25], $0x1900  }
0x5c: {  	[sflag:s25] =	ssyncset.done $0x0  }
0x5d: {  	s12 =	simm.s32 $0x0;
	[sflag:s25] =	ssyncadd.s32 $0xFFFFE700  }
0x5e: {  	v4 =	vld [tilespmem:s12+$0xB330]  }
0x5f: {  	v5 =	vld [tilespmem:s12+$0x9A00]  }
0x60: {  	v6 =	vld [tilespmem:s12+$0x9A10]  }
0x61: {  	v9 =	vld [tilespmem:s12+$0x9A20]  }
0x62: {  	v10 =	vld [tilespmem:s12+$0x9A30]  }
0x63: {  	v12 =	vimm.f32 $0.0e+00;
	v7 =	vimm.f32 $0.0e+00;
	v11 =	vld [tilespmem:s12+$0xB300]  }
0x64: {  	v14 =	vimm.f32 $0.0e+00;
	v13 =	vimm.f32 $0.0e+00;
	v15 =	vld [tilespmem:s12+$0xB310];
	v4 =	vadd.f32 v4, v7  }
0x65: {  	v8 =	vimm.f32 $0.0e+00;
	s9 =	simm.s32 $0x40;
	s11 =	simm.s32 $0x200;
	v16 =	vld [tilespmem:s12+$0xB320];
	v5 =	vadd.f32 v5, v7;
	v6 =	vadd.f32 v6, v7  }
.LBB2_5:
0x66: {  	p1 =	sne.s32 s11, $0x6300;
	v17 =	vld [tilespmem:s9+$0xB330];
	v7 =	vadd.f32 v9, v7  }
0x67: {  	v18 =	vld [tilespmem:s9+$0x9A00];
	v8 =	vadd.f32 v10, v8  }
0x68: {  	v19 =	vld [tilespmem:s9+$0x9A10];
	v14 =	vadd.f32 v11, v14  }
.Ltmp1:
0x69: {  	v9 =	vld [tilespmem:s9+$0x9A20];
	v12 =	vadd.f32 v15, v12;
	(pc) =	sbr.rel @p1 .LBB2_5-.Ltmp1, $4  }
0x6a: {  	v10 =	vld [tilespmem:s9+$0x9A30];
	v13 =	vadd.f32 v16, v13  }
0x6b: {  	v11 =	vld [tilespmem:s9+$0xB300];
	v4 =	vadd.f32 v17, v4  }
0x6c: {  	v5 =	vadd.f32 v18, v5;
	v15 =	vld [tilespmem:s9+$0xB310]  }
0x6d: {  	v6 =	vadd.f32 v19, v6;
	v16 =	vld [tilespmem:s9+$0xB320];
	s9 =	sshra.s32 s11, $0x2;
	s11 =	sadd.s32 $0x100, s11  }
0x6e: {  	v17 =	vld [tilespmem:s9+$0xB330]  }
0x6f: {  	v18 =	vld [tilespmem:s9+$0x9A00]  }
0x70: {  	v19 =	vld [tilespmem:s9+$0x9A10]  }
0x71: {  	v20 =	vld [tilespmem:s9+$0x9A20]  }
0x72: {  	v21 =	vld [tilespmem:s9+$0xB300]  }
0x73: {  	v7 =	vadd.f32 v9, v7;
	v9 =	vld [tilespmem:s9+$0xB310]  }
0x74: {  	v8 =	vadd.f32 v10, v8;
	v10 =	vadd.f32 v11, v14;
	v11 =	vld [tilespmem:s9+$0xB320]  }
0x75: {  	v14 =	vld [tilespmem:s9+$0x9A30];
	v12 =	vadd.f32 v15, v12;
	v13 =	vadd.f32 v16, v13  }
0x76: {  	v4 =	vadd.f32 v17, v4;
	v5 =	vadd.f32 v18, v5  }
0x77: {  	v6 =	vadd.f32 v19, v6;
	v10 =	vadd.f32 v21, v10  }
0x78: {  	v7 =	vadd.f32 v20, v7;
	v9 =	vadd.f32 v9, v12  }
0x79: {  	v11 =	vadd.f32 v11, v13;
	v5 =	vadd.f32 v10, v5  }
0x7a: {  	v8 =	vadd.f32 v14, v8;
	v6 =	vadd.f32 v9, v6  }
0x7b: {  	v5 =	vadd.f32 v5, v0;
	v7 =	vadd.f32 v11, v7  }
0x7c: {  	v6 =	vadd.f32 v6, v1;
	v4 =	vadd.f32 v4, v8  }
0x7d: {  	[tilespmem:s0+$0x13040] =	vst v5;
	v5 =	vadd.f32 v7, v2  }
0x7e: {  	[tilespmem:s0+$0x13050] =	vst v6;
	v4 =	vadd.f32 v4, v3  }
0x7f: {  	[tilespmem:s0+$0x13060] =	vst v5  }
0x80: {  	s11 =	simm.s32 @!p0 $0x64;
	s12 =	simm.s32 @!p0 $0x9A00;
	s9 =	sadd.s32 @!p0 $0x410, s2;
	[tilespmem:s0+$0x13070] =	vst v4  }
0x81: {  	[tilespmem:s12], [sflag:$0x2] =	stream.indirect.gather @!p0 [hbm4b:s4+s11], $0x40, s9, s11, $0xb8;
	[tilespmem:$0x15040] =	vst v63  }
0x82: {  	s9 =	sadd.s32 @!p0 $0x478, s2;
	s12 =	simm.s32 @!p0 $0xB300  }
0x83: {  	[tilespmem:s12], [sflag:$0x2] =	stream.indirect.gather @!p0 [hbm4b:s4+s11], $0x40, s9, s11, $0xb8;
	[tilespmem:$0x15040] =	vst v63  }
0x84: {  	_ =	swait.ge [sflag:s26], $0x1900  }
0x85: {  	[sflag:s26] =	ssyncset.done $0x0  }
0x86: {  	[sflag:s26] =	ssyncadd.s32 $0xFFFFE700  }
0x87: {  	_ =	swait.ge [sflag:s26], $0x1900  }
0x88: {  	[sflag:s26] =	ssyncset.done $0x0  }
0x89: {  	s12 =	simm.s32 $0x0;
	[sflag:s26] =	ssyncadd.s32 $0xFFFFE700  }
0x8a: {  	v4 =	vld [tilespmem:s12+$0xE530]  }
0x8b: {  	v5 =	vld [tilespmem:s12+$0xCC00]  }
0x8c: {  	v6 =	vld [tilespmem:s12+$0xCC10]  }
0x8d: {  	v9 =	vld [tilespmem:s12+$0xCC20]  }
0x8e: {  	v10 =	vld [tilespmem:s12+$0xCC30]  }
0x8f: {  	v12 =	vimm.f32 $0.0e+00;
	v7 =	vimm.f32 $0.0e+00;
	v11 =	vld [tilespmem:s12+$0xE500]  }
0x90: {  	v14 =	vimm.f32 $0.0e+00;
	v13 =	vimm.f32 $0.0e+00;
	v15 =	vld [tilespmem:s12+$0xE510];
	v4 =	vadd.f32 v4, v7  }
0x91: {  	v8 =	vimm.f32 $0.0e+00;
	s9 =	simm.s32 $0x40;
	s11 =	simm.s32 $0x200;
	v16 =	vld [tilespmem:s12+$0xE520];
	v5 =	vadd.f32 v5, v7;
	v6 =	vadd.f32 v6, v7  }
.LBB2_7:
0x92: {  	p1 =	sne.s32 s11, $0x6300;
	v17 =	vld [tilespmem:s9+$0xE530];
	v7 =	vadd.f32 v9, v7  }
0x93: {  	v18 =	vld [tilespmem:s9+$0xCC00];
	v8 =	vadd.f32 v10, v8  }
0x94: {  	v19 =	vld [tilespmem:s9+$0xCC10];
	v14 =	vadd.f32 v11, v14  }
.Ltmp2:
0x95: {  	v9 =	vld [tilespmem:s9+$0xCC20];
	v12 =	vadd.f32 v15, v12;
	(pc) =	sbr.rel @p1 .LBB2_7-.Ltmp2, $4  }
0x96: {  	v10 =	vld [tilespmem:s9+$0xCC30];
	v13 =	vadd.f32 v16, v13  }
0x97: {  	v11 =	vld [tilespmem:s9+$0xE500];
	v4 =	vadd.f32 v17, v4  }
0x98: {  	v5 =	vadd.f32 v18, v5;
	v15 =	vld [tilespmem:s9+$0xE510]  }
0x99: {  	v6 =	vadd.f32 v19, v6;
	v16 =	vld [tilespmem:s9+$0xE520];
	s9 =	sshra.s32 s11, $0x2;
	s11 =	sadd.s32 $0x100, s11  }
0x9a: {  	v17 =	vld [tilespmem:s9+$0xE530]  }
0x9b: {  	v18 =	vld [tilespmem:s9+$0xCC00]  }
0x9c: {  	v19 =	vld [tilespmem:s9+$0xCC10]  }
0x9d: {  	v20 =	vld [tilespmem:s9+$0xCC20]  }
0x9e: {  	v21 =	vld [tilespmem:s9+$0xE500]  }
0x9f: {  	v7 =	vadd.f32 v9, v7;
	v9 =	vld [tilespmem:s9+$0xE510]  }
0xa0: {  	v8 =	vadd.f32 v10, v8;
	v10 =	vadd.f32 v11, v14;
	v11 =	vld [tilespmem:s9+$0xE520]  }
0xa1: {  	v14 =	vld [tilespmem:s9+$0xCC30];
	v12 =	vadd.f32 v15, v12;
	v13 =	vadd.f32 v16, v13  }
0xa2: {  	v4 =	vadd.f32 v17, v4;
	v5 =	vadd.f32 v18, v5  }
0xa3: {  	v6 =	vadd.f32 v19, v6;
	v10 =	vadd.f32 v21, v10  }
0xa4: {  	v7 =	vadd.f32 v20, v7;
	v9 =	vadd.f32 v9, v12  }
0xa5: {  	v11 =	vadd.f32 v11, v13;
	v5 =	vadd.f32 v10, v5  }
0xa6: {  	v8 =	vadd.f32 v14, v8;
	v6 =	vadd.f32 v9, v6  }
0xa7: {  	v5 =	vadd.f32 v5, v0;
	v7 =	vadd.f32 v11, v7  }
0xa8: {  	v6 =	vadd.f32 v6, v1;
	v4 =	vadd.f32 v4, v8  }
0xa9: {  	[tilespmem:s0+$0x13080] =	vst v5;
	v5 =	vadd.f32 v7, v2  }
0xaa: {  	[tilespmem:s0+$0x13090] =	vst v6;
	v4 =	vadd.f32 v4, v3  }
0xab: {  	[tilespmem:s0+$0x130A0] =	vst v5  }
0xac: {  	s11 =	simm.s32 @!p0 $0xCC00;
	s9 =	simm.s32 @!p0 $0x64;
	[tilespmem:s0+$0x130B0] =	vst v4;
	s0 =	sadd.s32 @!p0 $0x4E0, s2  }
0xad: {  	[tilespmem:s11], [sflag:$0x3] =	stream.indirect.gather @!p0 [hbm4b:s4+s9], $0x40, s0, s9, $0xb8;
	[tilespmem:$0x15040] =	vst v63  }
0xae: {  	s0 =	sadd.s32 @!p0 $0x548, s2;
	s2 =	simm.s32 @!p0 $0xE500  }
0xaf: {  	[tilespmem:s2], [sflag:$0x3] =	stream.indirect.gather @!p0 [hbm4b:s4+s9], $0x40, s0, s9, $0xb8;
	[tilespmem:$0x15040] =	vst v63  }
0xb0: {  	_ =	swait.ge [sflag:s28], $0x1900  }
0xb1: {  	[sflag:s28] =	ssyncset.done $0x0  }
0xb2: {  	[sflag:s28] =	ssyncadd.s32 $0xFFFFE700  }
0xb3: {  	_ =	swait.ge [sflag:s28], $0x1900  }
0xb4: {  	[sflag:s28] =	ssyncset.done $0x0  }
0xb5: {  	s12 =	simm.s32 $0x0;
	[sflag:s28] =	ssyncadd.s32 $0xFFFFE700  }
0xb6: {  	v4 =	vld [tilespmem:s12+$0x11730]  }
0xb7: {  	v5 =	vld [tilespmem:s12+$0xFE00]  }
0xb8: {  	v6 =	vld [tilespmem:s12+$0xFE10]  }
0xb9: {  	v9 =	vld [tilespmem:s12+$0xFE20]  }
0xba: {  	v10 =	vld [tilespmem:s12+$0xFE30]  }
0xbb: {  	v12 =	vimm.f32 $0.0e+00;
	v7 =	vimm.f32 $0.0e+00;
	v11 =	vld [tilespmem:s12+$0x11700]  }
0xbc: {  	v14 =	vimm.f32 $0.0e+00;
	v13 =	vimm.f32 $0.0e+00;
	v15 =	vld [tilespmem:s12+$0x11710];
	v4 =	vadd.f32 v4, v7  }
0xbd: {  	v8 =	vimm.f32 $0.0e+00;
	s0 =	simm.s32 $0x40;
	s2 =	simm.s32 $0x200;
	v16 =	vld [tilespmem:s12+$0x11720];
	v5 =	vadd.f32 v5, v7;
	v6 =	vadd.f32 v6, v7  }
.LBB2_9:
0xbe: {  	p0 =	sne.s32 s2, $0x6300;
	v17 =	vld [tilespmem:s0+$0x11730];
	v7 =	vadd.f32 v9, v7  }
0xbf: {  	v18 =	vld [tilespmem:s0+$0xFE00];
	v8 =	vadd.f32 v10, v8  }
0xc0: {  	v19 =	vld [tilespmem:s0+$0xFE10];
	v14 =	vadd.f32 v11, v14  }
.Ltmp3:
0xc1: {  	v9 =	vld [tilespmem:s0+$0xFE20];
	v12 =	vadd.f32 v15, v12;
	(pc) =	sbr.rel @p0 .LBB2_9-.Ltmp3, $4  }
0xc2: {  	v10 =	vld [tilespmem:s0+$0xFE30];
	v13 =	vadd.f32 v16, v13  }
0xc3: {  	v11 =	vld [tilespmem:s0+$0x11700];
	v4 =	vadd.f32 v17, v4  }
0xc4: {  	v5 =	vadd.f32 v18, v5;
	v15 =	vld [tilespmem:s0+$0x11710]  }
0xc5: {  	v6 =	vadd.f32 v19, v6;
	v16 =	vld [tilespmem:s0+$0x11720];
	s0 =	sshra.s32 s2, $0x2;
	s2 =	sadd.s32 $0x100, s2  }
0xc6: {  	v17 =	vld [tilespmem:s0+$0x11730]  }
0xc7: {  	v18 =	vld [tilespmem:s0+$0xFE00]  }
0xc8: {  	v19 =	vld [tilespmem:s0+$0xFE10]  }
0xc9: {  	v20 =	vld [tilespmem:s0+$0xFE20]  }
0xca: {  	v21 =	vld [tilespmem:s0+$0x11700]  }
0xcb: {  	v7 =	vadd.f32 v9, v7;
	v60 =	vld [tilespmem:s0+$0x11710]  }
0xcc: {  	v63 =	vld [tilespmem:s0+$0xFE30];
	v8 =	vadd.f32 v10, v8;
	v61 =	vadd.f32 v11, v14  }
0xcd: {  	v62 =	vld [tilespmem:s0+$0x11720];
	v12 =	vadd.f32 v15, v12;
	v13 =	vadd.f32 v16, v13  }
0xce: {  	v4 =	vadd.f32 v17, v4;
	v5 =	vadd.f32 v18, v5  }
0xcf: {  	v6 =	vadd.f32 v19, v6;
	v10 =	vadd.f32 v21, v61  }
0xd0: {  	v7 =	vadd.f32 v20, v7;
	v9 =	vadd.f32 v60, v12  }
0xd1: {  	v8 =	vadd.f32 v63, v8;
	v5 =	vadd.f32 v10, v5  }
0xd2: {  	s31 =	sadd.s32 $0x1, s31;
	v11 =	vadd.f32 v62, v13;
	v6 =	vadd.f32 v9, v6  }
0xd3: {  	s12 =	sshll.u32 s1, $0x6;
	p0 =	sne.s32 s31, $0x20;
	v4 =	vadd.f32 v4, v8;
	v5 =	vadd.f32 v5, v0  }
.Ltmp4:
0xd4: {  	s0 =	sand.u32 $0x3FFFFFC0, s12;
	v7 =	vadd.f32 v11, v7;
	v6 =	vadd.f32 v6, v1;
	(pc) =	sbr.rel @p0 .LBB2_2-.Ltmp4, $4  }
0xd5: {  	v4 =	vadd.f32 v4, v3;
	[tilespmem:s0+$0x13000] =	vst v5  }
0xd6: {  	v5 =	vadd.f32 v7, v2;
	[tilespmem:s0+$0x13010] =	vst v6  }
0xd7: {  	[tilespmem:s0+$0x13030] =	vst v4  }
0xd8: {  	[tilespmem:s0+$0x13020] =	vst v5  }
0xd9: {  	s30 =	sadd.s32 $0x1, s30  }
0xda: {  	p0 =	sne.s32 s30, s7  }
.Ltmp5:
0xdb: {  	_ = 	snop;
	(pc) =	sbr.rel @p0 .LBB2_1-.Ltmp5, $4  }
0xdc: {  	[hbm4b:s6+s3] =	stream.linear.scatter [tilespmem:s29], [sflag:$0x5], $0x2000, $0x38;
	[tilespmem:$0x15040] =	vst v63  }
0xdd: {  	_ =	swait.ge [sflag:s8], $0x2000  }
0xde: {  	[sflag:s8] =	ssyncset.done $0x0  }
0xdf: {  	[sflag:s8] =	ssyncadd.s32 $0xFFFFE000  }
0xe0: {  	_ =	sfence.sel $0x180000  }
0xe1: {  	[bflag:$0x0] =	sbarrier.arrive $0xFFFF  }
0xe2: {  	_ =	strace $0x90000047  }
0xe3: {  	s0 =	stileid.u32;
	[bflag:$0x2] =	sbarrier.arrive $0xFFFF  }
0xe4: {  	p0 =	sne.s32 s0, $0x0;
	s0 =	rddreg [dreg:$0x3]  }
0xe5: {  	s0 =	sadd.s32 @!p0 $0x100000, s0  }
0xe6: {  	[sflag:s0] =	ssyncadd.tile.s32 @!p0 $0x1;
	_ =	shalt  }
.Lfunc_end2:
_tile_overlayer_lowered:
.L_overlay_start_2:
0xe7: {  	(tag) =	ssettag $0x2  }
0xe8: {  	s0 =	rddreg [dreg:$0x0];
	s2 =	stileid.u32  }
0xe9: {  	s1 =	rddreg [dreg:$0x1];
	p0 =	sne.s32 s2, $0x0  }
0xea: {  	s3 =	rddreg [dreg:$0x2];
	[bflag:$0x3] =	sbarrier.arrive $0xFFFF;
	s2 =	simm.s32 @!p0 $0x1C05  }
0xeb: {  	[timem:s3], [sflag:s2] =	dma.local @!p0 [hbm:s0], s1  }
0xec: {  	s0 =	simm.s32 @!p0 $0x5  }
0xed: {  	_ =	swait.ge @!p0 [sflag:s0], s1  }
0xee: {  	s1 =	ssub.s32 @!p0 $0x0, s1;
	[sflag:s0] =	ssyncset.done @!p0 $0x0  }
0xef: {  	[sflag:s0] =	ssyncadd.s32 @!p0 s1  }
0xf0: {  	[bflag:$0x3] =	sbarrier.arrive $0xFFFF  }
0xf1: {  	_ =	shalt  }

</sc_bundles>
